<compile_context>
chip_gen: v7x
topology: tpu7x:2x2x1
jax: 0.10.2.dev20260603
libtpu: 0.0.44.dev20260713+nightly
codegen_flags: <defaults>
</compile_context>

<pallas_src>
import functools

import jax
import jax.numpy as jnp
from jax import lax
from jax.experimental import pallas as pl
from jax.experimental.pallas import tpu as pltpu
from jax.experimental.pallas import tpu_sc as plsc

QUEUE_SIZE = 65536
FEATURE_DIM = 512
BATCH = 16384

_NUM_CORES = 2
_NUM_SUBCORES = 16
_NW = _NUM_CORES * _NUM_SUBCORES
_ROWS_T = BATCH // _NW
_ROWS_Q = (QUEUE_SIZE - BATCH) // _NW

_CHUNK = 120
_NBUF = 2
_LAG = 1


def _build_schedule(regions, sizes):
    sched = []
    k = 0
    for src, dst, base, nrows in regions:
        off = 0
        while off < nrows:
            b = k % len(sizes)
            take = min(sizes[b], nrows - off)
            r = base + off
            sched.append((src.at[pl.ds(r, take)], dst.at[pl.ds(r, take)],
                          b, take))
            off += take
            k += 1
    return sched


def _pipe_copy(sched, bufs, sizes, sem_in, sem_out):
    n = len(sched)
    gat = [None] * len(bufs)
    scat = [None] * len(bufs)
    for i in range(n + _LAG):
        if i < n:
            src, _, b, take = sched[i]
            if scat[b] is not None:
                scat[b].wait()
                scat[b] = None
            dst_buf = bufs[b] if take == sizes[b] else bufs[b].at[pl.ds(0, take)]
            gat[b] = pltpu.async_copy(src, dst_buf, sem_in[b])
        j = i - _LAG
        if j >= 0:
            _, dst, bj, take = sched[j]
            gat[bj].wait()
            src_buf = bufs[bj] if take == sizes[bj] else bufs[bj].at[pl.ds(0, take)]
            scat[bj] = pltpu.async_copy(src_buf, dst, sem_out[bj])
    for s in scat:
        if s is not None:
            s.wait()


def _enqueue_body(tensor, labels, queue, queue_labels, out_q, out_l,
                  buf0, buf1, lbuf_t, lbuf_q,
                  sem_i0, sem_i1, sem_o0, sem_o1, sem_l):
    wid = lax.axis_index("s") * _NUM_CORES + lax.axis_index("c")
    t0 = wid * _ROWS_T
    q0 = BATCH + wid * _ROWS_Q

    lg_t = pltpu.async_copy(labels.at[pl.ds(t0, _ROWS_T)], lbuf_t, sem_l)
    lg_q = pltpu.async_copy(queue_labels.at[pl.ds(q0, _ROWS_Q)], lbuf_q, sem_l)

    regions = (
        (tensor, out_q, t0, _ROWS_T),
        (queue, out_q, q0, _ROWS_Q),
    )
    sched = _build_schedule(regions, (_CHUNK,) * _NBUF)
    _pipe_copy(sched, (buf0, buf1), (_CHUNK,) * _NBUF,
               (sem_i0, sem_i1), (sem_o0, sem_o1))

    lg_t.wait()
    lg_q.wait()
    ls_t = pltpu.async_copy(lbuf_t, out_l.at[pl.ds(t0, _ROWS_T)], sem_l)
    ls_q = pltpu.async_copy(lbuf_q, out_l.at[pl.ds(q0, _ROWS_Q)], sem_l)
    ls_t.wait()
    ls_q.wait()


_enqueue = functools.partial(
    pl.kernel,
    out_type=(
        jax.ShapeDtypeStruct((QUEUE_SIZE, FEATURE_DIM), jnp.float32),
        jax.ShapeDtypeStruct((QUEUE_SIZE,), jnp.int32),
    ),
    mesh=plsc.VectorSubcoreMesh(core_axis_name="c", subcore_axis_name="s"),
    scratch_types=[
        pltpu.VMEM((_CHUNK, FEATURE_DIM), jnp.float32),
        pltpu.VMEM((_CHUNK, FEATURE_DIM), jnp.float32),
        pltpu.VMEM((_ROWS_T,), jnp.int32),
        pltpu.VMEM((_ROWS_Q,), jnp.int32),
        pltpu.SemaphoreType.DMA,
        pltpu.SemaphoreType.DMA,
        pltpu.SemaphoreType.DMA,
        pltpu.SemaphoreType.DMA,
        pltpu.SemaphoreType.DMA,
    ],
)(_enqueue_body)


def kernel(tensor, labels, queue, queue_labels):
    return _enqueue(tensor, labels, queue, queue_labels)

# --- scband reference (transcript-rebuilt; emitter-appended) ---
"""Pipeline reference for scband-tensor-queue-43997644980451 (READ-ONLY COPY).

The authoritative reference and input builder live on the scoring server;
editing this copy changes nothing except your own understanding.
"""

import jax, jax.numpy as jnp
import numpy as np

QUEUE_SIZE = 65536
FEATURE_DIM = 512
BATCH = 16384
INDEX = 0  # module starts with self.index = 0


def setup_inputs(seed: int = 0) -> dict:
    key = jax.random.key(seed)
    k1, k2, k3 = jax.random.split(key, 3)
    tensor = jax.random.normal(k1, (BATCH, FEATURE_DIM), dtype=jnp.float32)
    labels = jax.random.randint(k2, (BATCH,), 0, 1000, dtype=jnp.int32)
    # registered buffers
    queue = jax.random.normal(k3, (QUEUE_SIZE, FEATURE_DIM), dtype=jnp.float32)
    queue_labels = jnp.zeros((QUEUE_SIZE,), dtype=jnp.int32)
    return {"tensor": tensor, "labels": labels, "queue": queue, "queue_labels": queue_labels}


def reference(tensor, labels, queue, queue_labels):
    # Faithful functional translation of TensorQueue.enqueue: a circular-buffer
    # scatter-overwrite of `batch_size` rows starting at INDEX, with wraparound.
    # The torch code's two-branch slice-assignment is exactly equivalent to
    # writing row i of `tensor` to slot (INDEX + i) % QUEUE_SIZE.
    B = tensor.shape[0]
    idx = (INDEX + jnp.arange(B)) % QUEUE_SIZE
    new_queue = queue.at[idx].set(tensor)
    new_labels = queue_labels.at[idx].set(labels)
    # get_queue() returns (queue, labels)
    return new_queue, new_labels

if __name__ == "__main__":
    import jax
    _d = setup_inputs()
    print(jax.jit(kernel)(*tuple(_d.values())))

</pallas_src>

<mosaic_0001>
#map = affine_map<(d0, d1) -> (0, 0)>
#map1 = affine_map<(d0, d1) -> (0)>
module attributes {stable_mosaic.version = 14 : i64} {
  func.func @_enqueue_body(%arg0: i32, %arg1: i32, %arg2: memref<16384x512xf32, #tpu.memory_space<hbm>>, %arg3: memref<16384xi32, #tpu.memory_space<hbm>>, %arg4: memref<65536x512xf32, #tpu.memory_space<hbm>>, %arg5: memref<65536xi32, #tpu.memory_space<hbm>>, %arg6: memref<65536x512xf32, #tpu.memory_space<hbm>>, %arg7: memref<65536xi32, #tpu.memory_space<hbm>>, %arg8: memref<120x512xf32, #tpu.memory_space<vmem>>, %arg9: memref<120x512xf32, #tpu.memory_space<vmem>>, %arg10: memref<512xi32, #tpu.memory_space<vmem>>, %arg11: memref<1536xi32, #tpu.memory_space<vmem>>, %arg12: memref<!tpu.dma_semaphore, #tpu.memory_space<semaphore_mem>>, %arg13: memref<!tpu.dma_semaphore, #tpu.memory_space<semaphore_mem>>, %arg14: memref<!tpu.dma_semaphore, #tpu.memory_space<semaphore_mem>>, %arg15: memref<!tpu.dma_semaphore, #tpu.memory_space<semaphore_mem>>, %arg16: memref<!tpu.dma_semaphore, #tpu.memory_space<semaphore_mem>>) attributes {dimension_semantics = [#tpu.dimension_semantics<core_parallel>, #tpu.dimension_semantics<subcore_parallel>], iteration_bounds = array<i64: 2, 16>, scalar_prefetch = 0 : i64, scratch_operands = 9 : i64, tpu.core_type = #tpu.core_type<sc_vector_subcore>, window_params = [{transform_indices = #map}, {transform_indices = #map1}, {transform_indices = #map}, {transform_indices = #map1}, {transform_indices = #map}, {transform_indices = #map1}]} {
    %mul3A = arith.constant 2 : i32
    %mul3A_0 = arith.muli %arg1, %mul3A : i32
    %add3A = arith.addi %mul3A_0, %arg0 : i32
    %mul3A_1 = arith.constant 512 : i32
    %mul3A_2 = arith.muli %add3A, %mul3A_1 : i32
    %mul3A_3 = arith.constant 1536 : i32
    %mul3A_4 = arith.muli %add3A, %mul3A_3 : i32
    %add3A_5 = arith.constant 16384 : i32
    %add3A_6 = arith.addi %add3A_5, %mul3A_4 : i32
    %dma_start3A = tpu.memref_slice %arg3[%mul3A_2] : memref<16384xi32, #tpu.memory_space<hbm>> -> memref<512xi32, #tpu.memory_space<hbm>>
    %dma_start3A_7 = tpu.memref_slice %arg3[%mul3A_2] : memref<16384xi32, #tpu.memory_space<hbm>> -> memref<512xi32, #tpu.memory_space<hbm>>
    tpu.enqueue_dma source(%dma_start3A_7 : memref<512xi32, #tpu.memory_space<hbm>>) target(%arg10 : memref<512xi32, #tpu.memory_space<vmem>>) target_semaphore(%arg16 : memref<!tpu.dma_semaphore, #tpu.memory_space<semaphore_mem>>)
    %dma_start3A_8 = tpu.memref_slice %arg5[%add3A_6] : memref<65536xi32, #tpu.memory_space<hbm>> -> memref<1536xi32, #tpu.memory_space<hbm>>
    %dma_start3A_9 = tpu.memref_slice %arg5[%add3A_6] : memref<65536xi32, #tpu.memory_space<hbm>> -> memref<1536xi32, #tpu.memory_space<hbm>>
    tpu.enqueue_dma source(%dma_start3A_9 : memref<1536xi32, #tpu.memory_space<hbm>>) target(%arg11 : memref<1536xi32, #tpu.memory_space<vmem>>) target_semaphore(%arg16 : memref<!tpu.dma_semaphore, #tpu.memory_space<semaphore_mem>>)
    %add3A_10 = arith.constant 0 : i32
    %add3A_11 = arith.addi %mul3A_2, %add3A_10 : i32
    %add3A_12 = arith.constant 120 : i32
    %add3A_13 = arith.addi %mul3A_2, %add3A_12 : i32
    %add3A_14 = arith.constant 240 : i32
    %add3A_15 = arith.addi %mul3A_2, %add3A_14 : i32
    %add3A_16 = arith.constant 360 : i32
    %add3A_17 = arith.addi %mul3A_2, %add3A_16 : i32
    %add3A_18 = arith.constant 480 : i32
    %add3A_19 = arith.addi %mul3A_2, %add3A_18 : i32
    %add3A_20 = arith.constant 0 : i32
    %add3A_21 = arith.addi %add3A_6, %add3A_20 : i32
    %add3A_22 = arith.constant 120 : i32
    %add3A_23 = arith.addi %add3A_6, %add3A_22 : i32
    %add3A_24 = arith.constant 240 : i32
    %add3A_25 = arith.addi %add3A_6, %add3A_24 : i32
    %add3A_26 = arith.constant 360 : i32
    %add3A_27 = arith.addi %add3A_6, %add3A_26 : i32
    %add3A_28 = arith.constant 480 : i32
    %add3A_29 = arith.addi %add3A_6, %add3A_28 : i32
    %add3A_30 = arith.constant 600 : i32
    %add3A_31 = arith.addi %add3A_6, %add3A_30 : i32
    %add3A_32 = arith.constant 720 : i32
    %add3A_33 = arith.addi %add3A_6, %add3A_32 : i32
    %add3A_34 = arith.constant 840 : i32
    %add3A_35 = arith.addi %add3A_6, %add3A_34 : i32
    %add3A_36 = arith.constant 960 : i32
    %add3A_37 = arith.addi %add3A_6, %add3A_36 : i32
    %add3A_38 = arith.constant 1080 : i32
    %add3A_39 = arith.addi %add3A_6, %add3A_38 : i32
    %add3A_40 = arith.constant 1200 : i32
    %add3A_41 = arith.addi %add3A_6, %add3A_40 : i32
    %add3A_42 = arith.constant 1320 : i32
    %add3A_43 = arith.addi %add3A_6, %add3A_42 : i32
    %add3A_44 = arith.constant 1440 : i32
    %add3A_45 = arith.addi %add3A_6, %add3A_44 : i32
    %dma_start3A_46 = arith.constant 0 : i32
    %dma_start3A_47 = tpu.memref_slice %arg2[%add3A_11, %dma_start3A_46] : memref<16384x512xf32, #tpu.memory_space<hbm>> -> memref<120x512xf32, #tpu.memory_space<hbm>>
    %dma_start3A_48 = arith.constant 0 : i32
    %dma_start3A_49 = tpu.memref_slice %arg2[%add3A_11, %dma_start3A_48] : memref<16384x512xf32, #tpu.memory_space<hbm>> -> memref<120x512xf32, #tpu.memory_space<hbm>>
    tpu.enqueue_dma source(%dma_start3A_49 : memref<120x512xf32, #tpu.memory_space<hbm>>) target(%arg8 : memref<120x512xf32, #tpu.memory_space<vmem>>) target_semaphore(%arg12 : memref<!tpu.dma_semaphore, #tpu.memory_space<semaphore_mem>>)
    %dma_start3A_50 = arith.constant 0 : i32
    %dma_start3A_51 = tpu.memref_slice %arg2[%add3A_13, %dma_start3A_50] : memref<16384x512xf32, #tpu.memory_space<hbm>> -> memref<120x512xf32, #tpu.memory_space<hbm>>
    %dma_start3A_52 = arith.constant 0 : i32
    %dma_start3A_53 = tpu.memref_slice %arg2[%add3A_13, %dma_start3A_52] : memref<16384x512xf32, #tpu.memory_space<hbm>> -> memref<120x512xf32, #tpu.memory_space<hbm>>
    tpu.enqueue_dma source(%dma_start3A_53 : memref<120x512xf32, #tpu.memory_space<hbm>>) target(%arg9 : memref<120x512xf32, #tpu.memory_space<vmem>>) target_semaphore(%arg13 : memref<!tpu.dma_semaphore, #tpu.memory_space<semaphore_mem>>)
    %dma_wait3A = arith.constant 0 : i32
    %dma_wait3A_54 = tpu.memref_slice %arg2[%add3A_11, %dma_wait3A] : memref<16384x512xf32, #tpu.memory_space<hbm>> -> memref<120x512xf32, #tpu.memory_space<hbm>>
    %dma_wait3A_55 = arith.constant 0 : i32
    %dma_wait3A_56 = tpu.memref_slice %arg2[%add3A_11, %dma_wait3A_55] : memref<16384x512xf32, #tpu.memory_space<hbm>> -> memref<120x512xf32, #tpu.memory_space<hbm>>
    tpu.wait_dma2 semaphore(%arg12 : memref<!tpu.dma_semaphore, #tpu.memory_space<semaphore_mem>>) src(%dma_wait3A_56 : memref<120x512xf32, #tpu.memory_space<hbm>>) dst(%arg8 : memref<120x512xf32, #tpu.memory_space<vmem>>)
    %dma_start3A_57 = arith.constant 0 : i32
    %dma_start3A_58 = tpu.memref_slice %arg6[%add3A_11, %dma_start3A_57] : memref<65536x512xf32, #tpu.memory_space<hbm>> -> memref<120x512xf32, #tpu.memory_space<hbm>>
    %dma_start3A_59 = arith.constant 0 : i32
    %dma_start3A_60 = tpu.memref_slice %arg6[%add3A_11, %dma_start3A_59] : memref<65536x512xf32, #tpu.memory_space<hbm>> -> memref<120x512xf32, #tpu.memory_space<hbm>>
    tpu.enqueue_dma source(%arg8 : memref<120x512xf32, #tpu.memory_space<vmem>>) target(%dma_start3A_60 : memref<120x512xf32, #tpu.memory_space<hbm>>) target_semaphore(%arg14 : memref<!tpu.dma_semaphore, #tpu.memory_space<semaphore_mem>>)
    %dma_wait3A_61 = arith.constant 0 : i32
    %dma_wait3A_62 = tpu.memref_slice %arg6[%add3A_11, %dma_wait3A_61] : memref<65536x512xf32, #tpu.memory_space<hbm>> -> memref<120x512xf32, #tpu.memory_space<hbm>>
    %dma_wait3A_63 = arith.constant 0 : i32
    %dma_wait3A_64 = tpu.memref_slice %arg6[%add3A_11, %dma_wait3A_63] : memref<65536x512xf32, #tpu.memory_space<hbm>> -> memref<120x512xf32, #tpu.memory_space<hbm>>
    tpu.wait_dma2 semaphore(%arg14 : memref<!tpu.dma_semaphore, #tpu.memory_space<semaphore_mem>>) src(%arg8 : memref<120x512xf32, #tpu.memory_space<vmem>>) dst(%dma_wait3A_64 : memref<120x512xf32, #tpu.memory_space<hbm>>)
    %dma_start3A_65 = arith.constant 0 : i32
    %dma_start3A_66 = tpu.memref_slice %arg2[%add3A_15, %dma_start3A_65] : memref<16384x512xf32, #tpu.memory_space<hbm>> -> memref<120x512xf32, #tpu.memory_space<hbm>>
    %dma_start3A_67 = arith.constant 0 : i32
    %dma_start3A_68 = tpu.memref_slice %arg2[%add3A_15, %dma_start3A_67] : memref<16384x512xf32, #tpu.memory_space<hbm>> -> memref<120x512xf32, #tpu.memory_space<hbm>>
    tpu.enqueue_dma source(%dma_start3A_68 : memref<120x512xf32, #tpu.memory_space<hbm>>) target(%arg8 : memref<120x512xf32, #tpu.memory_space<vmem>>) target_semaphore(%arg12 : memref<!tpu.dma_semaphore, #tpu.memory_space<semaphore_mem>>)
    %dma_wait3A_69 = arith.constant 0 : i32
    %dma_wait3A_70 = tpu.memref_slice %arg2[%add3A_13, %dma_wait3A_69] : memref<16384x512xf32, #tpu.memory_space<hbm>> -> memref<120x512xf32, #tpu.memory_space<hbm>>
    %dma_wait3A_71 = arith.constant 0 : i32
    %dma_wait3A_72 = tpu.memref_slice %arg2[%add3A_13, %dma_wait3A_71] : memref<16384x512xf32, #tpu.memory_space<hbm>> -> memref<120x512xf32, #tpu.memory_space<hbm>>
    tpu.wait_dma2 semaphore(%arg13 : memref<!tpu.dma_semaphore, #tpu.memory_space<semaphore_mem>>) src(%dma_wait3A_72 : memref<120x512xf32, #tpu.memory_space<hbm>>) dst(%arg9 : memref<120x512xf32, #tpu.memory_space<vmem>>)
    %dma_start3A_73 = arith.constant 0 : i32
    %dma_start3A_74 = tpu.memref_slice %arg6[%add3A_13, %dma_start3A_73] : memref<65536x512xf32, #tpu.memory_space<hbm>> -> memref<120x512xf32, #tpu.memory_space<hbm>>
    %dma_start3A_75 = arith.constant 0 : i32
    %dma_start3A_76 = tpu.memref_slice %arg6[%add3A_13, %dma_start3A_75] : memref<65536x512xf32, #tpu.memory_space<hbm>> -> memref<120x512xf32, #tpu.memory_space<hbm>>
    tpu.enqueue_dma source(%arg9 : memref<120x512xf32, #tpu.memory_space<vmem>>) target(%dma_start3A_76 : memref<120x512xf32, #tpu.memory_space<hbm>>) target_semaphore(%arg15 : memref<!tpu.dma_semaphore, #tpu.memory_space<semaphore_mem>>)
    %dma_wait3A_77 = arith.constant 0 : i32
    %dma_wait3A_78 = tpu.memref_slice %arg6[%add3A_13, %dma_wait3A_77] : memref<65536x512xf32, #tpu.memory_space<hbm>> -> memref<120x512xf32, #tpu.memory_space<hbm>>
    %dma_wait3A_79 = arith.constant 0 : i32
    %dma_wait3A_80 = tpu.memref_slice %arg6[%add3A_13, %dma_wait3A_79] : memref<65536x512xf32, #tpu.memory_space<hbm>> -> memref<120x512xf32, #tpu.memory_space<hbm>>
    tpu.wait_dma2 semaphore(%arg15 : memref<!tpu.dma_semaphore, #tpu.memory_space<semaphore_mem>>) src(%arg9 : memref<120x512xf32, #tpu.memory_space<vmem>>) dst(%dma_wait3A_80 : memref<120x512xf32, #tpu.memory_space<hbm>>)
    %dma_start3A_81 = arith.constant 0 : i32
    %dma_start3A_82 = tpu.memref_slice %arg2[%add3A_17, %dma_start3A_81] : memref<16384x512xf32, #tpu.memory_space<hbm>> -> memref<120x512xf32, #tpu.memory_space<hbm>>
    %dma_start3A_83 = arith.constant 0 : i32
    %dma_start3A_84 = tpu.memref_slice %arg2[%add3A_17, %dma_start3A_83] : memref<16384x512xf32, #tpu.memory_space<hbm>> -> memref<120x512xf32, #tpu.memory_space<hbm>>
    tpu.enqueue_dma source(%dma_start3A_84 : memref<120x512xf32, #tpu.memory_space<hbm>>) target(%arg9 : memref<120x512xf32, #tpu.memory_space<vmem>>) target_semaphore(%arg13 : memref<!tpu.dma_semaphore, #tpu.memory_space<semaphore_mem>>)
    %dma_wait3A_85 = arith.constant 0 : i32
    %dma_wait3A_86 = tpu.memref_slice %arg2[%add3A_15, %dma_wait3A_85] : memref<16384x512xf32, #tpu.memory_space<hbm>> -> memref<120x512xf32, #tpu.memory_space<hbm>>
    %dma_wait3A_87 = arith.constant 0 : i32
    %dma_wait3A_88 = tpu.memref_slice %arg2[%add3A_15, %dma_wait3A_87] : memref<16384x512xf32, #tpu.memory_space<hbm>> -> memref<120x512xf32, #tpu.memory_space<hbm>>
    tpu.wait_dma2 semaphore(%arg12 : memref<!tpu.dma_semaphore, #tpu.memory_space<semaphore_mem>>) src(%dma_wait3A_88 : memref<120x512xf32, #tpu.memory_space<hbm>>) dst(%arg8 : memref<120x512xf32, #tpu.memory_space<vmem>>)
    %dma_start3A_89 = arith.constant 0 : i32
    %dma_start3A_90 = tpu.memref_slice %arg6[%add3A_15, %dma_start3A_89] : memref<65536x512xf32, #tpu.memory_space<hbm>> -> memref<120x512xf32, #tpu.memory_space<hbm>>
    %dma_start3A_91 = arith.constant 0 : i32
    %dma_start3A_92 = tpu.memref_slice %arg6[%add3A_15, %dma_start3A_91] : memref<65536x512xf32, #tpu.memory_space<hbm>> -> memref<120x512xf32, #tpu.memory_space<hbm>>
    tpu.enqueue_dma source(%arg8 : memref<120x512xf32, #tpu.memory_space<vmem>>) target(%dma_start3A_92 : memref<120x512xf32, #tpu.memory_space<hbm>>) target_semaphore(%arg14 : memref<!tpu.dma_semaphore, #tpu.memory_space<semaphore_mem>>)
    %dma_wait3A_93 = arith.constant 0 : i32
    %dma_wait3A_94 = tpu.memref_slice %arg6[%add3A_15, %dma_wait3A_93] : memref<65536x512xf32, #tpu.memory_space<hbm>> -> memref<120x512xf32, #tpu.memory_space<hbm>>
    %dma_wait3A_95 = arith.constant 0 : i32
    %dma_wait3A_96 = tpu.memref_slice %arg6[%add3A_15, %dma_wait3A_95] : memref<65536x512xf32, #tpu.memory_space<hbm>> -> memref<120x512xf32, #tpu.memory_space<hbm>>
    tpu.wait_dma2 semaphore(%arg14 : memref<!tpu.dma_semaphore, #tpu.memory_space<semaphore_mem>>) src(%arg8 : memref<120x512xf32, #tpu.memory_space<vmem>>) dst(%dma_wait3A_96 : memref<120x512xf32, #tpu.memory_space<hbm>>)
    %dma_start3A_97 = arith.constant 0 : i32
    %dma_start3A_98 = arith.constant 0 : i32
    %dma_start3A_99 = tpu.memref_slice %arg8[%dma_start3A_97, %dma_start3A_98] : memref<120x512xf32, #tpu.memory_space<vmem>> -> memref<32x512xf32, #tpu.memory_space<vmem>>
    %dma_start3A_100 = arith.constant 0 : i32
    %dma_start3A_101 = tpu.memref_slice %arg2[%add3A_19, %dma_start3A_100] : memref<16384x512xf32, #tpu.memory_space<hbm>> -> memref<32x512xf32, #tpu.memory_space<hbm>>
    %dma_start3A_102 = arith.constant 0 : i32
    %dma_start3A_103 = arith.constant 0 : i32
    %dma_start3A_104 = tpu.memref_slice %arg8[%dma_start3A_102, %dma_start3A_103] : memref<120x512xf32, #tpu.memory_space<vmem>> -> memref<32x512xf32, #tpu.memory_space<vmem>>
    %dma_start3A_105 = arith.constant 0 : i32
    %dma_start3A_106 = tpu.memref_slice %arg2[%add3A_19, %dma_start3A_105] : memref<16384x512xf32, #tpu.memory_space<hbm>> -> memref<32x512xf32, #tpu.memory_space<hbm>>
    tpu.enqueue_dma source(%dma_start3A_106 : memref<32x512xf32, #tpu.memory_space<hbm>>) target(%dma_start3A_104 : memref<32x512xf32, #tpu.memory_space<vmem>>) target_semaphore(%arg12 : memref<!tpu.dma_semaphore, #tpu.memory_space<semaphore_mem>>)
    %dma_wait3A_107 = arith.constant 0 : i32
    %dma_wait3A_108 = tpu.memref_slice %arg2[%add3A_17, %dma_wait3A_107] : memref<16384x512xf32, #tpu.memory_space<hbm>> -> memref<120x512xf32, #tpu.memory_space<hbm>>
    %dma_wait3A_109 = arith.constant 0 : i32
    %dma_wait3A_110 = tpu.memref_slice %arg2[%add3A_17, %dma_wait3A_109] : memref<16384x512xf32, #tpu.memory_space<hbm>> -> memref<120x512xf32, #tpu.memory_space<hbm>>
    tpu.wait_dma2 semaphore(%arg13 : memref<!tpu.dma_semaphore, #tpu.memory_space<semaphore_mem>>) src(%dma_wait3A_110 : memref<120x512xf32, #tpu.memory_space<hbm>>) dst(%arg9 : memref<120x512xf32, #tpu.memory_space<vmem>>)
    %dma_start3A_111 = arith.constant 0 : i32
    %dma_start3A_112 = tpu.memref_slice %arg6[%add3A_17, %dma_start3A_111] : memref<65536x512xf32, #tpu.memory_space<hbm>> -> memref<120x512xf32, #tpu.memory_space<hbm>>
    %dma_start3A_113 = arith.constant 0 : i32
    %dma_start3A_114 = tpu.memref_slice %arg6[%add3A_17, %dma_start3A_113] : memref<65536x512xf32, #tpu.memory_space<hbm>> -> memref<120x512xf32, #tpu.memory_space<hbm>>
    tpu.enqueue_dma source(%arg9 : memref<120x512xf32, #tpu.memory_space<vmem>>) target(%dma_start3A_114 : memref<120x512xf32, #tpu.memory_space<hbm>>) target_semaphore(%arg15 : memref<!tpu.dma_semaphore, #tpu.memory_space<semaphore_mem>>)
    %dma_wait3A_115 = arith.constant 0 : i32
    %dma_wait3A_116 = tpu.memref_slice %arg6[%add3A_17, %dma_wait3A_115] : memref<65536x512xf32, #tpu.memory_space<hbm>> -> memref<120x512xf32, #tpu.memory_space<hbm>>
    %dma_wait3A_117 = arith.constant 0 : i32
    %dma_wait3A_118 = tpu.memref_slice %arg6[%add3A_17, %dma_wait3A_117] : memref<65536x512xf32, #tpu.memory_space<hbm>> -> memref<120x512xf32, #tpu.memory_space<hbm>>
    tpu.wait_dma2 semaphore(%arg15 : memref<!tpu.dma_semaphore, #tpu.memory_space<semaphore_mem>>) src(%arg9 : memref<120x512xf32, #tpu.memory_space<vmem>>) dst(%dma_wait3A_118 : memref<120x512xf32, #tpu.memory_space<hbm>>)
    %dma_start3A_119 = arith.constant 0 : i32
    %dma_start3A_120 = tpu.memref_slice %arg4[%add3A_21, %dma_start3A_119] : memref<65536x512xf32, #tpu.memory_space<hbm>> -> memref<120x512xf32, #tpu.memory_space<hbm>>
    %dma_start3A_121 = arith.constant 0 : i32
    %dma_start3A_122 = tpu.memref_slice %arg4[%add3A_21, %dma_start3A_121] : memref<65536x512xf32, #tpu.memory_space<hbm>> -> memref<120x512xf32, #tpu.memory_space<hbm>>
    tpu.enqueue_dma source(%dma_start3A_122 : memref<120x512xf32, #tpu.memory_space<hbm>>) target(%arg9 : memref<120x512xf32, #tpu.memory_space<vmem>>) target_semaphore(%arg13 : memref<!tpu.dma_semaphore, #tpu.memory_space<semaphore_mem>>)
    %dma_wait3A_123 = arith.constant 0 : i32
    %dma_wait3A_124 = arith.constant 0 : i32
    %dma_wait3A_125 = tpu.memref_slice %arg8[%dma_wait3A_123, %dma_wait3A_124] : memref<120x512xf32, #tpu.memory_space<vmem>> -> memref<32x512xf32, #tpu.memory_space<vmem>>
    %dma_wait3A_126 = arith.constant 0 : i32
    %dma_wait3A_127 = tpu.memref_slice %arg2[%add3A_19, %dma_wait3A_126] : memref<16384x512xf32, #tpu.memory_space<hbm>> -> memref<32x512xf32, #tpu.memory_space<hbm>>
    %dma_wait3A_128 = arith.constant 0 : i32
    %dma_wait3A_129 = arith.constant 0 : i32
    %dma_wait3A_130 = tpu.memref_slice %arg8[%dma_wait3A_128, %dma_wait3A_129] : memref<120x512xf32, #tpu.memory_space<vmem>> -> memref<32x512xf32, #tpu.memory_space<vmem>>
    %dma_wait3A_131 = arith.constant 0 : i32
    %dma_wait3A_132 = tpu.memref_slice %arg2[%add3A_19, %dma_wait3A_131] : memref<16384x512xf32, #tpu.memory_space<hbm>> -> memref<32x512xf32, #tpu.memory_space<hbm>>
    tpu.wait_dma2 semaphore(%arg12 : memref<!tpu.dma_semaphore, #tpu.memory_space<semaphore_mem>>) src(%dma_wait3A_132 : memref<32x512xf32, #tpu.memory_space<hbm>>) dst(%dma_wait3A_130 : memref<32x512xf32, #tpu.memory_space<vmem>>)
    %dma_start3A_133 = arith.constant 0 : i32
    %dma_start3A_134 = arith.constant 0 : i32
    %dma_start3A_135 = tpu.memref_slice %arg8[%dma_start3A_133, %dma_start3A_134] : memref<120x512xf32, #tpu.memory_space<vmem>> -> memref<32x512xf32, #tpu.memory_space<vmem>>
    %dma_start3A_136 = arith.constant 0 : i32
    %dma_start3A_137 = tpu.memref_slice %arg6[%add3A_19, %dma_start3A_136] : memref<65536x512xf32, #tpu.memory_space<hbm>> -> memref<32x512xf32, #tpu.memory_space<hbm>>
    %dma_start3A_138 = arith.constant 0 : i32
    %dma_start3A_139 = tpu.memref_slice %arg6[%add3A_19, %dma_start3A_138] : memref<65536x512xf32, #tpu.memory_space<hbm>> -> memref<32x512xf32, #tpu.memory_space<hbm>>
    %dma_start3A_140 = arith.constant 0 : i32
    %dma_start3A_141 = arith.constant 0 : i32
    %dma_start3A_142 = tpu.memref_slice %arg8[%dma_start3A_140, %dma_start3A_141] : memref<120x512xf32, #tpu.memory_space<vmem>> -> memref<32x512xf32, #tpu.memory_space<vmem>>
    tpu.enqueue_dma source(%dma_start3A_142 : memref<32x512xf32, #tpu.memory_space<vmem>>) target(%dma_start3A_139 : memref<32x512xf32, #tpu.memory_space<hbm>>) target_semaphore(%arg14 : memref<!tpu.dma_semaphore, #tpu.memory_space<semaphore_mem>>)
    %dma_wait3A_143 = arith.constant 0 : i32
    %dma_wait3A_144 = arith.constant 0 : i32
    %dma_wait3A_145 = tpu.memref_slice %arg8[%dma_wait3A_143, %dma_wait3A_144] : memref<120x512xf32, #tpu.memory_space<vmem>> -> memref<32x512xf32, #tpu.memory_space<vmem>>
    %dma_wait3A_146 = arith.constant 0 : i32
    %dma_wait3A_147 = tpu.memref_slice %arg6[%add3A_19, %dma_wait3A_146] : memref<65536x512xf32, #tpu.memory_space<hbm>> -> memref<32x512xf32, #tpu.memory_space<hbm>>
    %dma_wait3A_148 = arith.constant 0 : i32
    %dma_wait3A_149 = tpu.memref_slice %arg6[%add3A_19, %dma_wait3A_148] : memref<65536x512xf32, #tpu.memory_space<hbm>> -> memref<32x512xf32, #tpu.memory_space<hbm>>
    %dma_wait3A_150 = arith.constant 0 : i32
    %dma_wait3A_151 = arith.constant 0 : i32
    %dma_wait3A_152 = tpu.memref_slice %arg8[%dma_wait3A_150, %dma_wait3A_151] : memref<120x512xf32, #tpu.memory_space<vmem>> -> memref<32x512xf32, #tpu.memory_space<vmem>>
    tpu.wait_dma2 semaphore(%arg14 : memref<!tpu.dma_semaphore, #tpu.memory_space<semaphore_mem>>) src(%dma_wait3A_152 : memref<32x512xf32, #tpu.memory_space<vmem>>) dst(%dma_wait3A_149 : memref<32x512xf32, #tpu.memory_space<hbm>>)
    %dma_start3A_153 = arith.constant 0 : i32
    %dma_start3A_154 = tpu.memref_slice %arg4[%add3A_23, %dma_start3A_153] : memref<65536x512xf32, #tpu.memory_space<hbm>> -> memref<120x512xf32, #tpu.memory_space<hbm>>
    %dma_start3A_155 = arith.constant 0 : i32
    %dma_start3A_156 = tpu.memref_slice %arg4[%add3A_23, %dma_start3A_155] : memref<65536x512xf32, #tpu.memory_space<hbm>> -> memref<120x512xf32, #tpu.memory_space<hbm>>
    tpu.enqueue_dma source(%dma_start3A_156 : memref<120x512xf32, #tpu.memory_space<hbm>>) target(%arg8 : memref<120x512xf32, #tpu.memory_space<vmem>>) target_semaphore(%arg12 : memref<!tpu.dma_semaphore, #tpu.memory_space<semaphore_mem>>)
    %dma_wait3A_157 = arith.constant 0 : i32
    %dma_wait3A_158 = tpu.memref_slice %arg4[%add3A_21, %dma_wait3A_157] : memref<65536x512xf32, #tpu.memory_space<hbm>> -> memref<120x512xf32, #tpu.memory_space<hbm>>
    %dma_wait3A_159 = arith.constant 0 : i32
    %dma_wait3A_160 = tpu.memref_slice %arg4[%add3A_21, %dma_wait3A_159] : memref<65536x512xf32, #tpu.memory_space<hbm>> -> memref<120x512xf32, #tpu.memory_space<hbm>>
    tpu.wait_dma2 semaphore(%arg13 : memref<!tpu.dma_semaphore, #tpu.memory_space<semaphore_mem>>) src(%dma_wait3A_160 : memref<120x512xf32, #tpu.memory_space<hbm>>) dst(%arg9 : memref<120x512xf32, #tpu.memory_space<vmem>>)
    %dma_start3A_161 = arith.constant 0 : i32
    %dma_start3A_162 = tpu.memref_slice %arg6[%add3A_21, %dma_start3A_161] : memref<65536x512xf32, #tpu.memory_space<hbm>> -> memref<120x512xf32, #tpu.memory_space<hbm>>
    %dma_start3A_163 = arith.constant 0 : i32
    %dma_start3A_164 = tpu.memref_slice %arg6[%add3A_21, %dma_start3A_163] : memref<65536x512xf32, #tpu.memory_space<hbm>> -> memref<120x512xf32, #tpu.memory_space<hbm>>
    tpu.enqueue_dma source(%arg9 : memref<120x512xf32, #tpu.memory_space<vmem>>) target(%dma_start3A_164 : memref<120x512xf32, #tpu.memory_space<hbm>>) target_semaphore(%arg15 : memref<!tpu.dma_semaphore, #tpu.memory_space<semaphore_mem>>)
    %dma_wait3A_165 = arith.constant 0 : i32
    %dma_wait3A_166 = tpu.memref_slice %arg6[%add3A_21, %dma_wait3A_165] : memref<65536x512xf32, #tpu.memory_space<hbm>> -> memref<120x512xf32, #tpu.memory_space<hbm>>
    %dma_wait3A_167 = arith.constant 0 : i32
    %dma_wait3A_168 = tpu.memref_slice %arg6[%add3A_21, %dma_wait3A_167] : memref<65536x512xf32, #tpu.memory_space<hbm>> -> memref<120x512xf32, #tpu.memory_space<hbm>>
    tpu.wait_dma2 semaphore(%arg15 : memref<!tpu.dma_semaphore, #tpu.memory_space<semaphore_mem>>) src(%arg9 : memref<120x512xf32, #tpu.memory_space<vmem>>) dst(%dma_wait3A_168 : memref<120x512xf32, #tpu.memory_space<hbm>>)
    %dma_start3A_169 = arith.constant 0 : i32
    %dma_start3A_170 = tpu.memref_slice %arg4[%add3A_25, %dma_start3A_169] : memref<65536x512xf32, #tpu.memory_space<hbm>> -> memref<120x512xf32, #tpu.memory_space<hbm>>
    %dma_start3A_171 = arith.constant 0 : i32
    %dma_start3A_172 = tpu.memref_slice %arg4[%add3A_25, %dma_start3A_171] : memref<65536x512xf32, #tpu.memory_space<hbm>> -> memref<120x512xf32, #tpu.memory_space<hbm>>
    tpu.enqueue_dma source(%dma_start3A_172 : memref<120x512xf32, #tpu.memory_space<hbm>>) target(%arg9 : memref<120x512xf32, #tpu.memory_space<vmem>>) target_semaphore(%arg13 : memref<!tpu.dma_semaphore, #tpu.memory_space<semaphore_mem>>)
    %dma_wait3A_173 = arith.constant 0 : i32
    %dma_wait3A_174 = tpu.memref_slice %arg4[%add3A_23, %dma_wait3A_173] : memref<65536x512xf32, #tpu.memory_space<hbm>> -> memref<120x512xf32, #tpu.memory_space<hbm>>
    %dma_wait3A_175 = arith.constant 0 : i32
    %dma_wait3A_176 = tpu.memref_slice %arg4[%add3A_23, %dma_wait3A_175] : memref<65536x512xf32, #tpu.memory_space<hbm>> -> memref<120x512xf32, #tpu.memory_space<hbm>>
    tpu.wait_dma2 semaphore(%arg12 : memref<!tpu.dma_semaphore, #tpu.memory_space<semaphore_mem>>) src(%dma_wait3A_176 : memref<120x512xf32, #tpu.memory_space<hbm>>) dst(%arg8 : memref<120x512xf32, #tpu.memory_space<vmem>>)
    %dma_start3A_177 = arith.constant 0 : i32
    %dma_start3A_178 = tpu.memref_slice %arg6[%add3A_23, %dma_start3A_177] : memref<65536x512xf32, #tpu.memory_space<hbm>> -> memref<120x512xf32, #tpu.memory_space<hbm>>
    %dma_start3A_179 = arith.constant 0 : i32
    %dma_start3A_180 = tpu.memref_slice %arg6[%add3A_23, %dma_start3A_179] : memref<65536x512xf32, #tpu.memory_space<hbm>> -> memref<120x512xf32, #tpu.memory_space<hbm>>
    tpu.enqueue_dma source(%arg8 : memref<120x512xf32, #tpu.memory_space<vmem>>) target(%dma_start3A_180 : memref<120x512xf32, #tpu.memory_space<hbm>>) target_semaphore(%arg14 : memref<!tpu.dma_semaphore, #tpu.memory_space<semaphore_mem>>)
    %dma_wait3A_181 = arith.constant 0 : i32
    %dma_wait3A_182 = tpu.memref_slice %arg6[%add3A_23, %dma_wait3A_181] : memref<65536x512xf32, #tpu.memory_space<hbm>> -> memref<120x512xf32, #tpu.memory_space<hbm>>
    %dma_wait3A_183 = arith.constant 0 : i32
    %dma_wait3A_184 = tpu.memref_slice %arg6[%add3A_23, %dma_wait3A_183] : memref<65536x512xf32, #tpu.memory_space<hbm>> -> memref<120x512xf32, #tpu.memory_space<hbm>>
    tpu.wait_dma2 semaphore(%arg14 : memref<!tpu.dma_semaphore, #tpu.memory_space<semaphore_mem>>) src(%arg8 : memref<120x512xf32, #tpu.memory_space<vmem>>) dst(%dma_wait3A_184 : memref<120x512xf32, #tpu.memory_space<hbm>>)
    %dma_start3A_185 = arith.constant 0 : i32
    %dma_start3A_186 = tpu.memref_slice %arg4[%add3A_27, %dma_start3A_185] : memref<65536x512xf32, #tpu.memory_space<hbm>> -> memref<120x512xf32, #tpu.memory_space<hbm>>
    %dma_start3A_187 = arith.constant 0 : i32
    %dma_start3A_188 = tpu.memref_slice %arg4[%add3A_27, %dma_start3A_187] : memref<65536x512xf32, #tpu.memory_space<hbm>> -> memref<120x512xf32, #tpu.memory_space<hbm>>
    tpu.enqueue_dma source(%dma_start3A_188 : memref<120x512xf32, #tpu.memory_space<hbm>>) target(%arg8 : memref<120x512xf32, #tpu.memory_space<vmem>>) target_semaphore(%arg12 : memref<!tpu.dma_semaphore, #tpu.memory_space<semaphore_mem>>)
    %dma_wait3A_189 = arith.constant 0 : i32
    %dma_wait3A_190 = tpu.memref_slice %arg4[%add3A_25, %dma_wait3A_189] : memref<65536x512xf32, #tpu.memory_space<hbm>> -> memref<120x512xf32, #tpu.memory_space<hbm>>
    %dma_wait3A_191 = arith.constant 0 : i32
    %dma_wait3A_192 = tpu.memref_slice %arg4[%add3A_25, %dma_wait3A_191] : memref<65536x512xf32, #tpu.memory_space<hbm>> -> memref<120x512xf32, #tpu.memory_space<hbm>>
    tpu.wait_dma2 semaphore(%arg13 : memref<!tpu.dma_semaphore, #tpu.memory_space<semaphore_mem>>) src(%dma_wait3A_192 : memref<120x512xf32, #tpu.memory_space<hbm>>) dst(%arg9 : memref<120x512xf32, #tpu.memory_space<vmem>>)
    %dma_start3A_193 = arith.constant 0 : i32
    %dma_start3A_194 = tpu.memref_slice %arg6[%add3A_25, %dma_start3A_193] : memref<65536x512xf32, #tpu.memory_space<hbm>> -> memref<120x512xf32, #tpu.memory_space<hbm>>
    %dma_start3A_195 = arith.constant 0 : i32
    %dma_start3A_196 = tpu.memref_slice %arg6[%add3A_25, %dma_start3A_195] : memref<65536x512xf32, #tpu.memory_space<hbm>> -> memref<120x512xf32, #tpu.memory_space<hbm>>
    tpu.enqueue_dma source(%arg9 : memref<120x512xf32, #tpu.memory_space<vmem>>) target(%dma_start3A_196 : memref<120x512xf32, #tpu.memory_space<hbm>>) target_semaphore(%arg15 : memref<!tpu.dma_semaphore, #tpu.memory_space<semaphore_mem>>)
    %dma_wait3A_197 = arith.constant 0 : i32
    %dma_wait3A_198 = tpu.memref_slice %arg6[%add3A_25, %dma_wait3A_197] : memref<65536x512xf32, #tpu.memory_space<hbm>> -> memref<120x512xf32, #tpu.memory_space<hbm>>
    %dma_wait3A_199 = arith.constant 0 : i32
    %dma_wait3A_200 = tpu.memref_slice %arg6[%add3A_25, %dma_wait3A_199] : memref<65536x512xf32, #tpu.memory_space<hbm>> -> memref<120x512xf32, #tpu.memory_space<hbm>>
    tpu.wait_dma2 semaphore(%arg15 : memref<!tpu.dma_semaphore, #tpu.memory_space<semaphore_mem>>) src(%arg9 : memref<120x512xf32, #tpu.memory_space<vmem>>) dst(%dma_wait3A_200 : memref<120x512xf32, #tpu.memory_space<hbm>>)
    %dma_start3A_201 = arith.constant 0 : i32
    %dma_start3A_202 = tpu.memref_slice %arg4[%add3A_29, %dma_start3A_201] : memref<65536x512xf32, #tpu.memory_space<hbm>> -> memref<120x512xf32, #tpu.memory_space<hbm>>
    %dma_start3A_203 = arith.constant 0 : i32
    %dma_start3A_204 = tpu.memref_slice %arg4[%add3A_29, %dma_start3A_203] : memref<65536x512xf32, #tpu.memory_space<hbm>> -> memref<120x512xf32, #tpu.memory_space<hbm>>
    tpu.enqueue_dma source(%dma_start3A_204 : memref<120x512xf32, #tpu.memory_space<hbm>>) target(%arg9 : memref<120x512xf32, #tpu.memory_space<vmem>>) target_semaphore(%arg13 : memref<!tpu.dma_semaphore, #tpu.memory_space<semaphore_mem>>)
    %dma_wait3A_205 = arith.constant 0 : i32
    %dma_wait3A_206 = tpu.memref_slice %arg4[%add3A_27, %dma_wait3A_205] : memref<65536x512xf32, #tpu.memory_space<hbm>> -> memref<120x512xf32, #tpu.memory_space<hbm>>
    %dma_wait3A_207 = arith.constant 0 : i32
    %dma_wait3A_208 = tpu.memref_slice %arg4[%add3A_27, %dma_wait3A_207] : memref<65536x512xf32, #tpu.memory_space<hbm>> -> memref<120x512xf32, #tpu.memory_space<hbm>>
    tpu.wait_dma2 semaphore(%arg12 : memref<!tpu.dma_semaphore, #tpu.memory_space<semaphore_mem>>) src(%dma_wait3A_208 : memref<120x512xf32, #tpu.memory_space<hbm>>) dst(%arg8 : memref<120x512xf32, #tpu.memory_space<vmem>>)
    %dma_start3A_209 = arith.constant 0 : i32
    %dma_start3A_210 = tpu.memref_slice %arg6[%add3A_27, %dma_start3A_209] : memref<65536x512xf32, #tpu.memory_space<hbm>> -> memref<120x512xf32, #tpu.memory_space<hbm>>
    %dma_start3A_211 = arith.constant 0 : i32
    %dma_start3A_212 = tpu.memref_slice %arg6[%add3A_27, %dma_start3A_211] : memref<65536x512xf32, #tpu.memory_space<hbm>> -> memref<120x512xf32, #tpu.memory_space<hbm>>
    tpu.enqueue_dma source(%arg8 : memref<120x512xf32, #tpu.memory_space<vmem>>) target(%dma_start3A_212 : memref<120x512xf32, #tpu.memory_space<hbm>>) target_semaphore(%arg14 : memref<!tpu.dma_semaphore, #tpu.memory_space<semaphore_mem>>)
    %dma_wait3A_213 = arith.constant 0 : i32
    %dma_wait3A_214 = tpu.memref_slice %arg6[%add3A_27, %dma_wait3A_213] : memref<65536x512xf32, #tpu.memory_space<hbm>> -> memref<120x512xf32, #tpu.memory_space<hbm>>
    %dma_wait3A_215 = arith.constant 0 : i32
    %dma_wait3A_216 = tpu.memref_slice %arg6[%add3A_27, %dma_wait3A_215] : memref<65536x512xf32, #tpu.memory_space<hbm>> -> memref<120x512xf32, #tpu.memory_space<hbm>>
    tpu.wait_dma2 semaphore(%arg14 : memref<!tpu.dma_semaphore, #tpu.memory_space<semaphore_mem>>) src(%arg8 : memref<120x512xf32, #tpu.memory_space<vmem>>) dst(%dma_wait3A_216 : memref<120x512xf32, #tpu.memory_space<hbm>>)
    %dma_start3A_217 = arith.constant 0 : i32
    %dma_start3A_218 = tpu.memref_slice %arg4[%add3A_31, %dma_start3A_217] : memref<65536x512xf32, #tpu.memory_space<hbm>> -> memref<120x512xf32, #tpu.memory_space<hbm>>
    %dma_start3A_219 = arith.constant 0 : i32
    %dma_start3A_220 = tpu.memref_slice %arg4[%add3A_31, %dma_start3A_219] : memref<65536x512xf32, #tpu.memory_space<hbm>> -> memref<120x512xf32, #tpu.memory_space<hbm>>
    tpu.enqueue_dma source(%dma_start3A_220 : memref<120x512xf32, #tpu.memory_space<hbm>>) target(%arg8 : memref<120x512xf32, #tpu.memory_space<vmem>>) target_semaphore(%arg12 : memref<!tpu.dma_semaphore, #tpu.memory_space<semaphore_mem>>)
    %dma_wait3A_221 = arith.constant 0 : i32
    %dma_wait3A_222 = tpu.memref_slice %arg4[%add3A_29, %dma_wait3A_221] : memref<65536x512xf32, #tpu.memory_space<hbm>> -> memref<120x512xf32, #tpu.memory_space<hbm>>
    %dma_wait3A_223 = arith.constant 0 : i32
    %dma_wait3A_224 = tpu.memref_slice %arg4[%add3A_29, %dma_wait3A_223] : memref<65536x512xf32, #tpu.memory_space<hbm>> -> memref<120x512xf32, #tpu.memory_space<hbm>>
    tpu.wait_dma2 semaphore(%arg13 : memref<!tpu.dma_semaphore, #tpu.memory_space<semaphore_mem>>) src(%dma_wait3A_224 : memref<120x512xf32, #tpu.memory_space<hbm>>) dst(%arg9 : memref<120x512xf32, #tpu.memory_space<vmem>>)
    %dma_start3A_225 = arith.constant 0 : i32
    %dma_start3A_226 = tpu.memref_slice %arg6[%add3A_29, %dma_start3A_225] : memref<65536x512xf32, #tpu.memory_space<hbm>> -> memref<120x512xf32, #tpu.memory_space<hbm>>
    %dma_start3A_227 = arith.constant 0 : i32
    %dma_start3A_228 = tpu.memref_slice %arg6[%add3A_29, %dma_start3A_227] : memref<65536x512xf32, #tpu.memory_space<hbm>> -> memref<120x512xf32, #tpu.memory_space<hbm>>
    tpu.enqueue_dma source(%arg9 : memref<120x512xf32, #tpu.memory_space<vmem>>) target(%dma_start3A_228 : memref<120x512xf32, #tpu.memory_space<hbm>>) target_semaphore(%arg15 : memref<!tpu.dma_semaphore, #tpu.memory_space<semaphore_mem>>)
    %dma_wait3A_229 = arith.constant 0 : i32
    %dma_wait3A_230 = tpu.memref_slice %arg6[%add3A_29, %dma_wait3A_229] : memref<65536x512xf32, #tpu.memory_space<hbm>> -> memref<120x512xf32, #tpu.memory_space<hbm>>
    %dma_wait3A_231 = arith.constant 0 : i32
    %dma_wait3A_232 = tpu.memref_slice %arg6[%add3A_29, %dma_wait3A_231] : memref<65536x512xf32, #tpu.memory_space<hbm>> -> memref<120x512xf32, #tpu.memory_space<hbm>>
    tpu.wait_dma2 semaphore(%arg15 : memref<!tpu.dma_semaphore, #tpu.memory_space<semaphore_mem>>) src(%arg9 : memref<120x512xf32, #tpu.memory_space<vmem>>) dst(%dma_wait3A_232 : memref<120x512xf32, #tpu.memory_space<hbm>>)
    %dma_start3A_233 = arith.constant 0 : i32
    %dma_start3A_234 = tpu.memref_slice %arg4[%add3A_33, %dma_start3A_233] : memref<65536x512xf32, #tpu.memory_space<hbm>> -> memref<120x512xf32, #tpu.memory_space<hbm>>
    %dma_start3A_235 = arith.constant 0 : i32
    %dma_start3A_236 = tpu.memref_slice %arg4[%add3A_33, %dma_start3A_235] : memref<65536x512xf32, #tpu.memory_space<hbm>> -> memref<120x512xf32, #tpu.memory_space<hbm>>
    tpu.enqueue_dma source(%dma_start3A_236 : memref<120x512xf32, #tpu.memory_space<hbm>>) target(%arg9 : memref<120x512xf32, #tpu.memory_space<vmem>>) target_semaphore(%arg13 : memref<!tpu.dma_semaphore, #tpu.memory_space<semaphore_mem>>)
    %dma_wait3A_237 = arith.constant 0 : i32
    %dma_wait3A_238 = tpu.memref_slice %arg4[%add3A_31, %dma_wait3A_237] : memref<65536x512xf32, #tpu.memory_space<hbm>> -> memref<120x512xf32, #tpu.memory_space<hbm>>
    %dma_wait3A_239 = arith.constant 0 : i32
    %dma_wait3A_240 = tpu.memref_slice %arg4[%add3A_31, %dma_wait3A_239] : memref<65536x512xf32, #tpu.memory_space<hbm>> -> memref<120x512xf32, #tpu.memory_space<hbm>>
    tpu.wait_dma2 semaphore(%arg12 : memref<!tpu.dma_semaphore, #tpu.memory_space<semaphore_mem>>) src(%dma_wait3A_240 : memref<120x512xf32, #tpu.memory_space<hbm>>) dst(%arg8 : memref<120x512xf32, #tpu.memory_space<vmem>>)
    %dma_start3A_241 = arith.constant 0 : i32
    %dma_start3A_242 = tpu.memref_slice %arg6[%add3A_31, %dma_start3A_241] : memref<65536x512xf32, #tpu.memory_space<hbm>> -> memref<120x512xf32, #tpu.memory_space<hbm>>
    %dma_start3A_243 = arith.constant 0 : i32
    %dma_start3A_244 = tpu.memref_slice %arg6[%add3A_31, %dma_start3A_243] : memref<65536x512xf32, #tpu.memory_space<hbm>> -> memref<120x512xf32, #tpu.memory_space<hbm>>
    tpu.enqueue_dma source(%arg8 : memref<120x512xf32, #tpu.memory_space<vmem>>) target(%dma_start3A_244 : memref<120x512xf32, #tpu.memory_space<hbm>>) target_semaphore(%arg14 : memref<!tpu.dma_semaphore, #tpu.memory_space<semaphore_mem>>)
    %dma_wait3A_245 = arith.constant 0 : i32
    %dma_wait3A_246 = tpu.memref_slice %arg6[%add3A_31, %dma_wait3A_245] : memref<65536x512xf32, #tpu.memory_space<hbm>> -> memref<120x512xf32, #tpu.memory_space<hbm>>
    %dma_wait3A_247 = arith.constant 0 : i32
    %dma_wait3A_248 = tpu.memref_slice %arg6[%add3A_31, %dma_wait3A_247] : memref<65536x512xf32, #tpu.memory_space<hbm>> -> memref<120x512xf32, #tpu.memory_space<hbm>>
    tpu.wait_dma2 semaphore(%arg14 : memref<!tpu.dma_semaphore, #tpu.memory_space<semaphore_mem>>) src(%arg8 : memref<120x512xf32, #tpu.memory_space<vmem>>) dst(%dma_wait3A_248 : memref<120x512xf32, #tpu.memory_space<hbm>>)
    %dma_start3A_249 = arith.constant 0 : i32
    %dma_start3A_250 = tpu.memref_slice %arg4[%add3A_35, %dma_start3A_249] : memref<65536x512xf32, #tpu.memory_space<hbm>> -> memref<120x512xf32, #tpu.memory_space<hbm>>
    %dma_start3A_251 = arith.constant 0 : i32
    %dma_start3A_252 = tpu.memref_slice %arg4[%add3A_35, %dma_start3A_251] : memref<65536x512xf32, #tpu.memory_space<hbm>> -> memref<120x512xf32, #tpu.memory_space<hbm>>
    tpu.enqueue_dma source(%dma_start3A_252 : memref<120x512xf32, #tpu.memory_space<hbm>>) target(%arg8 : memref<120x512xf32, #tpu.memory_space<vmem>>) target_semaphore(%arg12 : memref<!tpu.dma_semaphore, #tpu.memory_space<semaphore_mem>>)
    %dma_wait3A_253 = arith.constant 0 : i32
    %dma_wait3A_254 = tpu.memref_slice %arg4[%add3A_33, %dma_wait3A_253] : memref<65536x512xf32, #tpu.memory_space<hbm>> -> memref<120x512xf32, #tpu.memory_space<hbm>>
    %dma_wait3A_255 = arith.constant 0 : i32
    %dma_wait3A_256 = tpu.memref_slice %arg4[%add3A_33, %dma_wait3A_255] : memref<65536x512xf32, #tpu.memory_space<hbm>> -> memref<120x512xf32, #tpu.memory_space<hbm>>
    tpu.wait_dma2 semaphore(%arg13 : memref<!tpu.dma_semaphore, #tpu.memory_space<semaphore_mem>>) src(%dma_wait3A_256 : memref<120x512xf32, #tpu.memory_space<hbm>>) dst(%arg9 : memref<120x512xf32, #tpu.memory_space<vmem>>)
    %dma_start3A_257 = arith.constant 0 : i32
    %dma_start3A_258 = tpu.memref_slice %arg6[%add3A_33, %dma_start3A_257] : memref<65536x512xf32, #tpu.memory_space<hbm>> -> memref<120x512xf32, #tpu.memory_space<hbm>>
    %dma_start3A_259 = arith.constant 0 : i32
    %dma_start3A_260 = tpu.memref_slice %arg6[%add3A_33, %dma_start3A_259] : memref<65536x512xf32, #tpu.memory_space<hbm>> -> memref<120x512xf32, #tpu.memory_space<hbm>>
    tpu.enqueue_dma source(%arg9 : memref<120x512xf32, #tpu.memory_space<vmem>>) target(%dma_start3A_260 : memref<120x512xf32, #tpu.memory_space<hbm>>) target_semaphore(%arg15 : memref<!tpu.dma_semaphore, #tpu.memory_space<semaphore_mem>>)
    %dma_wait3A_261 = arith.constant 0 : i32
    %dma_wait3A_262 = tpu.memref_slice %arg6[%add3A_33, %dma_wait3A_261] : memref<65536x512xf32, #tpu.memory_space<hbm>> -> memref<120x512xf32, #tpu.memory_space<hbm>>
    %dma_wait3A_263 = arith.constant 0 : i32
    %dma_wait3A_264 = tpu.memref_slice %arg6[%add3A_33, %dma_wait3A_263] : memref<65536x512xf32, #tpu.memory_space<hbm>> -> memref<120x512xf32, #tpu.memory_space<hbm>>
    tpu.wait_dma2 semaphore(%arg15 : memref<!tpu.dma_semaphore, #tpu.memory_space<semaphore_mem>>) src(%arg9 : memref<120x512xf32, #tpu.memory_space<vmem>>) dst(%dma_wait3A_264 : memref<120x512xf32, #tpu.memory_space<hbm>>)
    %dma_start3A_265 = arith.constant 0 : i32
    %dma_start3A_266 = tpu.memref_slice %arg4[%add3A_37, %dma_start3A_265] : memref<65536x512xf32, #tpu.memory_space<hbm>> -> memref<120x512xf32, #tpu.memory_space<hbm>>
    %dma_start3A_267 = arith.constant 0 : i32
    %dma_start3A_268 = tpu.memref_slice %arg4[%add3A_37, %dma_start3A_267] : memref<65536x512xf32, #tpu.memory_space<hbm>> -> memref<120x512xf32, #tpu.memory_space<hbm>>
    tpu.enqueue_dma source(%dma_start3A_268 : memref<120x512xf32, #tpu.memory_space<hbm>>) target(%arg9 : memref<120x512xf32, #tpu.memory_space<vmem>>) target_semaphore(%arg13 : memref<!tpu.dma_semaphore, #tpu.memory_space<semaphore_mem>>)
    %dma_wait3A_269 = arith.constant 0 : i32
    %dma_wait3A_270 = tpu.memref_slice %arg4[%add3A_35, %dma_wait3A_269] : memref<65536x512xf32, #tpu.memory_space<hbm>> -> memref<120x512xf32, #tpu.memory_space<hbm>>
    %dma_wait3A_271 = arith.constant 0 : i32
    %dma_wait3A_272 = tpu.memref_slice %arg4[%add3A_35, %dma_wait3A_271] : memref<65536x512xf32, #tpu.memory_space<hbm>> -> memref<120x512xf32, #tpu.memory_space<hbm>>
    tpu.wait_dma2 semaphore(%arg12 : memref<!tpu.dma_semaphore, #tpu.memory_space<semaphore_mem>>) src(%dma_wait3A_272 : memref<120x512xf32, #tpu.memory_space<hbm>>) dst(%arg8 : memref<120x512xf32, #tpu.memory_space<vmem>>)
    %dma_start3A_273 = arith.constant 0 : i32
    %dma_start3A_274 = tpu.memref_slice %arg6[%add3A_35, %dma_start3A_273] : memref<65536x512xf32, #tpu.memory_space<hbm>> -> memref<120x512xf32, #tpu.memory_space<hbm>>
    %dma_start3A_275 = arith.constant 0 : i32
    %dma_start3A_276 = tpu.memref_slice %arg6[%add3A_35, %dma_start3A_275] : memref<65536x512xf32, #tpu.memory_space<hbm>> -> memref<120x512xf32, #tpu.memory_space<hbm>>
    tpu.enqueue_dma source(%arg8 : memref<120x512xf32, #tpu.memory_space<vmem>>) target(%dma_start3A_276 : memref<120x512xf32, #tpu.memory_space<hbm>>) target_semaphore(%arg14 : memref<!tpu.dma_semaphore, #tpu.memory_space<semaphore_mem>>)
    %dma_wait3A_277 = arith.constant 0 : i32
    %dma_wait3A_278 = tpu.memref_slice %arg6[%add3A_35, %dma_wait3A_277] : memref<65536x512xf32, #tpu.memory_space<hbm>> -> memref<120x512xf32, #tpu.memory_space<hbm>>
    %dma_wait3A_279 = arith.constant 0 : i32
    %dma_wait3A_280 = tpu.memref_slice %arg6[%add3A_35, %dma_wait3A_279] : memref<65536x512xf32, #tpu.memory_space<hbm>> -> memref<120x512xf32, #tpu.memory_space<hbm>>
    tpu.wait_dma2 semaphore(%arg14 : memref<!tpu.dma_semaphore, #tpu.memory_space<semaphore_mem>>) src(%arg8 : memref<120x512xf32, #tpu.memory_space<vmem>>) dst(%dma_wait3A_280 : memref<120x512xf32, #tpu.memory_space<hbm>>)
    %dma_start3A_281 = arith.constant 0 : i32
    %dma_start3A_282 = tpu.memref_slice %arg4[%add3A_39, %dma_start3A_281] : memref<65536x512xf32, #tpu.memory_space<hbm>> -> memref<120x512xf32, #tpu.memory_space<hbm>>
    %dma_start3A_283 = arith.constant 0 : i32
    %dma_start3A_284 = tpu.memref_slice %arg4[%add3A_39, %dma_start3A_283] : memref<65536x512xf32, #tpu.memory_space<hbm>> -> memref<120x512xf32, #tpu.memory_space<hbm>>
    tpu.enqueue_dma source(%dma_start3A_284 : memref<120x512xf32, #tpu.memory_space<hbm>>) target(%arg8 : memref<120x512xf32, #tpu.memory_space<vmem>>) target_semaphore(%arg12 : memref<!tpu.dma_semaphore, #tpu.memory_space<semaphore_mem>>)
    %dma_wait3A_285 = arith.constant 0 : i32
    %dma_wait3A_286 = tpu.memref_slice %arg4[%add3A_37, %dma_wait3A_285] : memref<65536x512xf32, #tpu.memory_space<hbm>> -> memref<120x512xf32, #tpu.memory_space<hbm>>
    %dma_wait3A_287 = arith.constant 0 : i32
    %dma_wait3A_288 = tpu.memref_slice %arg4[%add3A_37, %dma_wait3A_287] : memref<65536x512xf32, #tpu.memory_space<hbm>> -> memref<120x512xf32, #tpu.memory_space<hbm>>
    tpu.wait_dma2 semaphore(%arg13 : memref<!tpu.dma_semaphore, #tpu.memory_space<semaphore_mem>>) src(%dma_wait3A_288 : memref<120x512xf32, #tpu.memory_space<hbm>>) dst(%arg9 : memref<120x512xf32, #tpu.memory_space<vmem>>)
    %dma_start3A_289 = arith.constant 0 : i32
    %dma_start3A_290 = tpu.memref_slice %arg6[%add3A_37, %dma_start3A_289] : memref<65536x512xf32, #tpu.memory_space<hbm>> -> memref<120x512xf32, #tpu.memory_space<hbm>>
    %dma_start3A_291 = arith.constant 0 : i32
    %dma_start3A_292 = tpu.memref_slice %arg6[%add3A_37, %dma_start3A_291] : memref<65536x512xf32, #tpu.memory_space<hbm>> -> memref<120x512xf32, #tpu.memory_space<hbm>>
    tpu.enqueue_dma source(%arg9 : memref<120x512xf32, #tpu.memory_space<vmem>>) target(%dma_start3A_292 : memref<120x512xf32, #tpu.memory_space<hbm>>) target_semaphore(%arg15 : memref<!tpu.dma_semaphore, #tpu.memory_space<semaphore_mem>>)
    %dma_wait3A_293 = arith.constant 0 : i32
    %dma_wait3A_294 = tpu.memref_slice %arg6[%add3A_37, %dma_wait3A_293] : memref<65536x512xf32, #tpu.memory_space<hbm>> -> memref<120x512xf32, #tpu.memory_space<hbm>>
    %dma_wait3A_295 = arith.constant 0 : i32
    %dma_wait3A_296 = tpu.memref_slice %arg6[%add3A_37, %dma_wait3A_295] : memref<65536x512xf32, #tpu.memory_space<hbm>> -> memref<120x512xf32, #tpu.memory_space<hbm>>
    tpu.wait_dma2 semaphore(%arg15 : memref<!tpu.dma_semaphore, #tpu.memory_space<semaphore_mem>>) src(%arg9 : memref<120x512xf32, #tpu.memory_space<vmem>>) dst(%dma_wait3A_296 : memref<120x512xf32, #tpu.memory_space<hbm>>)
    %dma_start3A_297 = arith.constant 0 : i32
    %dma_start3A_298 = tpu.memref_slice %arg4[%add3A_41, %dma_start3A_297] : memref<65536x512xf32, #tpu.memory_space<hbm>> -> memref<120x512xf32, #tpu.memory_space<hbm>>
    %dma_start3A_299 = arith.constant 0 : i32
    %dma_start3A_300 = tpu.memref_slice %arg4[%add3A_41, %dma_start3A_299] : memref<65536x512xf32, #tpu.memory_space<hbm>> -> memref<120x512xf32, #tpu.memory_space<hbm>>
    tpu.enqueue_dma source(%dma_start3A_300 : memref<120x512xf32, #tpu.memory_space<hbm>>) target(%arg9 : memref<120x512xf32, #tpu.memory_space<vmem>>) target_semaphore(%arg13 : memref<!tpu.dma_semaphore, #tpu.memory_space<semaphore_mem>>)
    %dma_wait3A_301 = arith.constant 0 : i32
    %dma_wait3A_302 = tpu.memref_slice %arg4[%add3A_39, %dma_wait3A_301] : memref<65536x512xf32, #tpu.memory_space<hbm>> -> memref<120x512xf32, #tpu.memory_space<hbm>>
    %dma_wait3A_303 = arith.constant 0 : i32
    %dma_wait3A_304 = tpu.memref_slice %arg4[%add3A_39, %dma_wait3A_303] : memref<65536x512xf32, #tpu.memory_space<hbm>> -> memref<120x512xf32, #tpu.memory_space<hbm>>
    tpu.wait_dma2 semaphore(%arg12 : memref<!tpu.dma_semaphore, #tpu.memory_space<semaphore_mem>>) src(%dma_wait3A_304 : memref<120x512xf32, #tpu.memory_space<hbm>>) dst(%arg8 : memref<120x512xf32, #tpu.memory_space<vmem>>)
    %dma_start3A_305 = arith.constant 0 : i32
    %dma_start3A_306 = tpu.memref_slice %arg6[%add3A_39, %dma_start3A_305] : memref<65536x512xf32, #tpu.memory_space<hbm>> -> memref<120x512xf32, #tpu.memory_space<hbm>>
    %dma_start3A_307 = arith.constant 0 : i32
    %dma_start3A_308 = tpu.memref_slice %arg6[%add3A_39, %dma_start3A_307] : memref<65536x512xf32, #tpu.memory_space<hbm>> -> memref<120x512xf32, #tpu.memory_space<hbm>>
    tpu.enqueue_dma source(%arg8 : memref<120x512xf32, #tpu.memory_space<vmem>>) target(%dma_start3A_308 : memref<120x512xf32, #tpu.memory_space<hbm>>) target_semaphore(%arg14 : memref<!tpu.dma_semaphore, #tpu.memory_space<semaphore_mem>>)
    %dma_wait3A_309 = arith.constant 0 : i32
    %dma_wait3A_310 = tpu.memref_slice %arg6[%add3A_39, %dma_wait3A_309] : memref<65536x512xf32, #tpu.memory_space<hbm>> -> memref<120x512xf32, #tpu.memory_space<hbm>>
    %dma_wait3A_311 = arith.constant 0 : i32
    %dma_wait3A_312 = tpu.memref_slice %arg6[%add3A_39, %dma_wait3A_311] : memref<65536x512xf32, #tpu.memory_space<hbm>> -> memref<120x512xf32, #tpu.memory_space<hbm>>
    tpu.wait_dma2 semaphore(%arg14 : memref<!tpu.dma_semaphore, #tpu.memory_space<semaphore_mem>>) src(%arg8 : memref<120x512xf32, #tpu.memory_space<vmem>>) dst(%dma_wait3A_312 : memref<120x512xf32, #tpu.memory_space<hbm>>)
    %dma_start3A_313 = arith.constant 0 : i32
    %dma_start3A_314 = tpu.memref_slice %arg4[%add3A_43, %dma_start3A_313] : memref<65536x512xf32, #tpu.memory_space<hbm>> -> memref<120x512xf32, #tpu.memory_space<hbm>>
    %dma_start3A_315 = arith.constant 0 : i32
    %dma_start3A_316 = tpu.memref_slice %arg4[%add3A_43, %dma_start3A_315] : memref<65536x512xf32, #tpu.memory_space<hbm>> -> memref<120x512xf32, #tpu.memory_space<hbm>>
    tpu.enqueue_dma source(%dma_start3A_316 : memref<120x512xf32, #tpu.memory_space<hbm>>) target(%arg8 : memref<120x512xf32, #tpu.memory_space<vmem>>) target_semaphore(%arg12 : memref<!tpu.dma_semaphore, #tpu.memory_space<semaphore_mem>>)
    %dma_wait3A_317 = arith.constant 0 : i32
    %dma_wait3A_318 = tpu.memref_slice %arg4[%add3A_41, %dma_wait3A_317] : memref<65536x512xf32, #tpu.memory_space<hbm>> -> memref<120x512xf32, #tpu.memory_space<hbm>>
    %dma_wait3A_319 = arith.constant 0 : i32
    %dma_wait3A_320 = tpu.memref_slice %arg4[%add3A_41, %dma_wait3A_319] : memref<65536x512xf32, #tpu.memory_space<hbm>> -> memref<120x512xf32, #tpu.memory_space<hbm>>
    tpu.wait_dma2 semaphore(%arg13 : memref<!tpu.dma_semaphore, #tpu.memory_space<semaphore_mem>>) src(%dma_wait3A_320 : memref<120x512xf32, #tpu.memory_space<hbm>>) dst(%arg9 : memref<120x512xf32, #tpu.memory_space<vmem>>)
    %dma_start3A_321 = arith.constant 0 : i32
    %dma_start3A_322 = tpu.memref_slice %arg6[%add3A_41, %dma_start3A_321] : memref<65536x512xf32, #tpu.memory_space<hbm>> -> memref<120x512xf32, #tpu.memory_space<hbm>>
    %dma_start3A_323 = arith.constant 0 : i32
    %dma_start3A_324 = tpu.memref_slice %arg6[%add3A_41, %dma_start3A_323] : memref<65536x512xf32, #tpu.memory_space<hbm>> -> memref<120x512xf32, #tpu.memory_space<hbm>>
    tpu.enqueue_dma source(%arg9 : memref<120x512xf32, #tpu.memory_space<vmem>>) target(%dma_start3A_324 : memref<120x512xf32, #tpu.memory_space<hbm>>) target_semaphore(%arg15 : memref<!tpu.dma_semaphore, #tpu.memory_space<semaphore_mem>>)
    %dma_wait3A_325 = arith.constant 0 : i32
    %dma_wait3A_326 = tpu.memref_slice %arg6[%add3A_41, %dma_wait3A_325] : memref<65536x512xf32, #tpu.memory_space<hbm>> -> memref<120x512xf32, #tpu.memory_space<hbm>>
    %dma_wait3A_327 = arith.constant 0 : i32
    %dma_wait3A_328 = tpu.memref_slice %arg6[%add3A_41, %dma_wait3A_327] : memref<65536x512xf32, #tpu.memory_space<hbm>> -> memref<120x512xf32, #tpu.memory_space<hbm>>
    tpu.wait_dma2 semaphore(%arg15 : memref<!tpu.dma_semaphore, #tpu.memory_space<semaphore_mem>>) src(%arg9 : memref<120x512xf32, #tpu.memory_space<vmem>>) dst(%dma_wait3A_328 : memref<120x512xf32, #tpu.memory_space<hbm>>)
    %dma_start3A_329 = arith.constant 0 : i32
    %dma_start3A_330 = arith.constant 0 : i32
    %dma_start3A_331 = tpu.memref_slice %arg9[%dma_start3A_329, %dma_start3A_330] : memref<120x512xf32, #tpu.memory_space<vmem>> -> memref<96x512xf32, #tpu.memory_space<vmem>>
    %dma_start3A_332 = arith.constant 0 : i32
    %dma_start3A_333 = tpu.memref_slice %arg4[%add3A_45, %dma_start3A_332] : memref<65536x512xf32, #tpu.memory_space<hbm>> -> memref<96x512xf32, #tpu.memory_space<hbm>>
    %dma_start3A_334 = arith.constant 0 : i32
    %dma_start3A_335 = arith.constant 0 : i32
    %dma_start3A_336 = tpu.memref_slice %arg9[%dma_start3A_334, %dma_start3A_335] : memref<120x512xf32, #tpu.memory_space<vmem>> -> memref<96x512xf32, #tpu.memory_space<vmem>>
    %dma_start3A_337 = arith.constant 0 : i32
    %dma_start3A_338 = tpu.memref_slice %arg4[%add3A_45, %dma_start3A_337] : memref<65536x512xf32, #tpu.memory_space<hbm>> -> memref<96x512xf32, #tpu.memory_space<hbm>>
    tpu.enqueue_dma source(%dma_start3A_338 : memref<96x512xf32, #tpu.memory_space<hbm>>) target(%dma_start3A_336 : memref<96x512xf32, #tpu.memory_space<vmem>>) target_semaphore(%arg13 : memref<!tpu.dma_semaphore, #tpu.memory_space<semaphore_mem>>)
    %dma_wait3A_339 = arith.constant 0 : i32
    %dma_wait3A_340 = tpu.memref_slice %arg4[%add3A_43, %dma_wait3A_339] : memref<65536x512xf32, #tpu.memory_space<hbm>> -> memref<120x512xf32, #tpu.memory_space<hbm>>
    %dma_wait3A_341 = arith.constant 0 : i32
    %dma_wait3A_342 = tpu.memref_slice %arg4[%add3A_43, %dma_wait3A_341] : memref<65536x512xf32, #tpu.memory_space<hbm>> -> memref<120x512xf32, #tpu.memory_space<hbm>>
    tpu.wait_dma2 semaphore(%arg12 : memref<!tpu.dma_semaphore, #tpu.memory_space<semaphore_mem>>) src(%dma_wait3A_342 : memref<120x512xf32, #tpu.memory_space<hbm>>) dst(%arg8 : memref<120x512xf32, #tpu.memory_space<vmem>>)
    %dma_start3A_343 = arith.constant 0 : i32
    %dma_start3A_344 = tpu.memref_slice %arg6[%add3A_43, %dma_start3A_343] : memref<65536x512xf32, #tpu.memory_space<hbm>> -> memref<120x512xf32, #tpu.memory_space<hbm>>
    %dma_start3A_345 = arith.constant 0 : i32
    %dma_start3A_346 = tpu.memref_slice %arg6[%add3A_43, %dma_start3A_345] : memref<65536x512xf32, #tpu.memory_space<hbm>> -> memref<120x512xf32, #tpu.memory_space<hbm>>
    tpu.enqueue_dma source(%arg8 : memref<120x512xf32, #tpu.memory_space<vmem>>) target(%dma_start3A_346 : memref<120x512xf32, #tpu.memory_space<hbm>>) target_semaphore(%arg14 : memref<!tpu.dma_semaphore, #tpu.memory_space<semaphore_mem>>)
    %dma_wait3A_347 = arith.constant 0 : i32
    %dma_wait3A_348 = arith.constant 0 : i32
    %dma_wait3A_349 = tpu.memref_slice %arg9[%dma_wait3A_347, %dma_wait3A_348] : memref<120x512xf32, #tpu.memory_space<vmem>> -> memref<96x512xf32, #tpu.memory_space<vmem>>
    %dma_wait3A_350 = arith.constant 0 : i32
    %dma_wait3A_351 = tpu.memref_slice %arg4[%add3A_45, %dma_wait3A_350] : memref<65536x512xf32, #tpu.memory_space<hbm>> -> memref<96x512xf32, #tpu.memory_space<hbm>>
    %dma_wait3A_352 = arith.constant 0 : i32
    %dma_wait3A_353 = arith.constant 0 : i32
    %dma_wait3A_354 = tpu.memref_slice %arg9[%dma_wait3A_352, %dma_wait3A_353] : memref<120x512xf32, #tpu.memory_space<vmem>> -> memref<96x512xf32, #tpu.memory_space<vmem>>
    %dma_wait3A_355 = arith.constant 0 : i32
    %dma_wait3A_356 = tpu.memref_slice %arg4[%add3A_45, %dma_wait3A_355] : memref<65536x512xf32, #tpu.memory_space<hbm>> -> memref<96x512xf32, #tpu.memory_space<hbm>>
    tpu.wait_dma2 semaphore(%arg13 : memref<!tpu.dma_semaphore, #tpu.memory_space<semaphore_mem>>) src(%dma_wait3A_356 : memref<96x512xf32, #tpu.memory_space<hbm>>) dst(%dma_wait3A_354 : memref<96x512xf32, #tpu.memory_space<vmem>>)
    %dma_start3A_357 = arith.constant 0 : i32
    %dma_start3A_358 = arith.constant 0 : i32
    %dma_start3A_359 = tpu.memref_slice %arg9[%dma_start3A_357, %dma_start3A_358] : memref<120x512xf32, #tpu.memory_space<vmem>> -> memref<96x512xf32, #tpu.memory_space<vmem>>
    %dma_start3A_360 = arith.constant 0 : i32
    %dma_start3A_361 = tpu.memref_slice %arg6[%add3A_45, %dma_start3A_360] : memref<65536x512xf32, #tpu.memory_space<hbm>> -> memref<96x512xf32, #tpu.memory_space<hbm>>
    %dma_start3A_362 = arith.constant 0 : i32
    %dma_start3A_363 = tpu.memref_slice %arg6[%add3A_45, %dma_start3A_362] : memref<65536x512xf32, #tpu.memory_space<hbm>> -> memref<96x512xf32, #tpu.memory_space<hbm>>
    %dma_start3A_364 = arith.constant 0 : i32
    %dma_start3A_365 = arith.constant 0 : i32
    %dma_start3A_366 = tpu.memref_slice %arg9[%dma_start3A_364, %dma_start3A_365] : memref<120x512xf32, #tpu.memory_space<vmem>> -> memref<96x512xf32, #tpu.memory_space<vmem>>
    tpu.enqueue_dma source(%dma_start3A_366 : memref<96x512xf32, #tpu.memory_space<vmem>>) target(%dma_start3A_363 : memref<96x512xf32, #tpu.memory_space<hbm>>) target_semaphore(%arg15 : memref<!tpu.dma_semaphore, #tpu.memory_space<semaphore_mem>>)
    %dma_wait3A_367 = arith.constant 0 : i32
    %dma_wait3A_368 = tpu.memref_slice %arg6[%add3A_43, %dma_wait3A_367] : memref<65536x512xf32, #tpu.memory_space<hbm>> -> memref<120x512xf32, #tpu.memory_space<hbm>>
    %dma_wait3A_369 = arith.constant 0 : i32
    %dma_wait3A_370 = tpu.memref_slice %arg6[%add3A_43, %dma_wait3A_369] : memref<65536x512xf32, #tpu.memory_space<hbm>> -> memref<120x512xf32, #tpu.memory_space<hbm>>
    tpu.wait_dma2 semaphore(%arg14 : memref<!tpu.dma_semaphore, #tpu.memory_space<semaphore_mem>>) src(%arg8 : memref<120x512xf32, #tpu.memory_space<vmem>>) dst(%dma_wait3A_370 : memref<120x512xf32, #tpu.memory_space<hbm>>)
    %dma_wait3A_371 = arith.constant 0 : i32
    %dma_wait3A_372 = arith.constant 0 : i32
    %dma_wait3A_373 = tpu.memref_slice %arg9[%dma_wait3A_371, %dma_wait3A_372] : memref<120x512xf32, #tpu.memory_space<vmem>> -> memref<96x512xf32, #tpu.memory_space<vmem>>
    %dma_wait3A_374 = arith.constant 0 : i32
    %dma_wait3A_375 = tpu.memref_slice %arg6[%add3A_45, %dma_wait3A_374] : memref<65536x512xf32, #tpu.memory_space<hbm>> -> memref<96x512xf32, #tpu.memory_space<hbm>>
    %dma_wait3A_376 = arith.constant 0 : i32
    %dma_wait3A_377 = tpu.memref_slice %arg6[%add3A_45, %dma_wait3A_376] : memref<65536x512xf32, #tpu.memory_space<hbm>> -> memref<96x512xf32, #tpu.memory_space<hbm>>
    %dma_wait3A_378 = arith.constant 0 : i32
    %dma_wait3A_379 = arith.constant 0 : i32
    %dma_wait3A_380 = tpu.memref_slice %arg9[%dma_wait3A_378, %dma_wait3A_379] : memref<120x512xf32, #tpu.memory_space<vmem>> -> memref<96x512xf32, #tpu.memory_space<vmem>>
    tpu.wait_dma2 semaphore(%arg15 : memref<!tpu.dma_semaphore, #tpu.memory_space<semaphore_mem>>) src(%dma_wait3A_380 : memref<96x512xf32, #tpu.memory_space<vmem>>) dst(%dma_wait3A_377 : memref<96x512xf32, #tpu.memory_space<hbm>>)
    %dma_wait3A_381 = tpu.memref_slice %arg3[%mul3A_2] : memref<16384xi32, #tpu.memory_space<hbm>> -> memref<512xi32, #tpu.memory_space<hbm>>
    %dma_wait3A_382 = tpu.memref_slice %arg3[%mul3A_2] : memref<16384xi32, #tpu.memory_space<hbm>> -> memref<512xi32, #tpu.memory_space<hbm>>
    tpu.wait_dma2 semaphore(%arg16 : memref<!tpu.dma_semaphore, #tpu.memory_space<semaphore_mem>>) src(%dma_wait3A_382 : memref<512xi32, #tpu.memory_space<hbm>>) dst(%arg10 : memref<512xi32, #tpu.memory_space<vmem>>)
    %dma_wait3A_383 = tpu.memref_slice %arg5[%add3A_6] : memref<65536xi32, #tpu.memory_space<hbm>> -> memref<1536xi32, #tpu.memory_space<hbm>>
    %dma_wait3A_384 = tpu.memref_slice %arg5[%add3A_6] : memref<65536xi32, #tpu.memory_space<hbm>> -> memref<1536xi32, #tpu.memory_space<hbm>>
    tpu.wait_dma2 semaphore(%arg16 : memref<!tpu.dma_semaphore, #tpu.memory_space<semaphore_mem>>) src(%dma_wait3A_384 : memref<1536xi32, #tpu.memory_space<hbm>>) dst(%arg11 : memref<1536xi32, #tpu.memory_space<vmem>>)
    %dma_start3A_385 = tpu.memref_slice %arg7[%mul3A_2] : memref<65536xi32, #tpu.memory_space<hbm>> -> memref<512xi32, #tpu.memory_space<hbm>>
    %dma_start3A_386 = tpu.memref_slice %arg7[%mul3A_2] : memref<65536xi32, #tpu.memory_space<hbm>> -> memref<512xi32, #tpu.memory_space<hbm>>
    tpu.enqueue_dma source(%arg10 : memref<512xi32, #tpu.memory_space<vmem>>) target(%dma_start3A_386 : memref<512xi32, #tpu.memory_space<hbm>>) target_semaphore(%arg16 : memref<!tpu.dma_semaphore, #tpu.memory_space<semaphore_mem>>)
    %dma_start3A_387 = tpu.memref_slice %arg7[%add3A_6] : memref<65536xi32, #tpu.memory_space<hbm>> -> memref<1536xi32, #tpu.memory_space<hbm>>
    %dma_start3A_388 = tpu.memref_slice %arg7[%add3A_6] : memref<65536xi32, #tpu.memory_space<hbm>> -> memref<1536xi32, #tpu.memory_space<hbm>>
    tpu.enqueue_dma source(%arg11 : memref<1536xi32, #tpu.memory_space<vmem>>) target(%dma_start3A_388 : memref<1536xi32, #tpu.memory_space<hbm>>) target_semaphore(%arg16 : memref<!tpu.dma_semaphore, #tpu.memory_space<semaphore_mem>>)
    %dma_wait3A_389 = tpu.memref_slice %arg7[%mul3A_2] : memref<65536xi32, #tpu.memory_space<hbm>> -> memref<512xi32, #tpu.memory_space<hbm>>
    %dma_wait3A_390 = tpu.memref_slice %arg7[%mul3A_2] : memref<65536xi32, #tpu.memory_space<hbm>> -> memref<512xi32, #tpu.memory_space<hbm>>
    tpu.wait_dma2 semaphore(%arg16 : memref<!tpu.dma_semaphore, #tpu.memory_space<semaphore_mem>>) src(%arg10 : memref<512xi32, #tpu.memory_space<vmem>>) dst(%dma_wait3A_390 : memref<512xi32, #tpu.memory_space<hbm>>)
    %dma_wait3A_391 = tpu.memref_slice %arg7[%add3A_6] : memref<65536xi32, #tpu.memory_space<hbm>> -> memref<1536xi32, #tpu.memory_space<hbm>>
    %dma_wait3A_392 = tpu.memref_slice %arg7[%add3A_6] : memref<65536xi32, #tpu.memory_space<hbm>> -> memref<1536xi32, #tpu.memory_space<hbm>>
    tpu.wait_dma2 semaphore(%arg16 : memref<!tpu.dma_semaphore, #tpu.memory_space<semaphore_mem>>) src(%arg11 : memref<1536xi32, #tpu.memory_space<vmem>>) dst(%dma_wait3A_392 : memref<1536xi32, #tpu.memory_space<hbm>>)
    return
  }
}

</mosaic_0001>

<sc_bundles>
// kernel: kernel.3.cloned.1.call-start
scs
__scs_entry_jumppad:
0x0: {  	(pc) =	sbr.rel $0x88, $3  }
0x1: {  	(tag) =	ssettag $0x0;
	lr =	simm.s32 $0x1  }
0x2: {  	[smem:$0x3F9D] =	sst lr;
	_ =	strace $0xD0000000  }
0x3: {  	_ = 	snop  }
0x4: {  	_ = 	snop  }
0x5: {  	_ = 	snop  }
0x6: {  	_ = 	snop  }
0x7: {  	_ = 	snop  }
__scs_overlays_trampoline_lowered:
0x8: {  	[smem:$0x3FAC] =	sst s0  }
0x9: {  	[smem:$0x3FAD] =	sst s1  }
0xa: {  	[smem:$0x3FAE] =	sst s2  }
0xb: {  	[smem:$0x3FAF] =	sst s3  }
0xc: {  	[smem:$0x3FB0] =	sst s4  }
0xd: {  	[smem:$0x3FB1] =	sst s5  }
0xe: {  	[smem:$0x3FB2] =	sst s6  }
0xf: {  	[smem:$0x3FB3] =	sst s7  }
0x10: {  	[smem:$0x3FB4] =	sst s8  }
0x11: {  	[smem:$0x3FB5] =	sst s9;
	s0 =	simm.s32 @!p0 $0x0  }
0x12: {  	s1 =	sld [smem:$0x3F9B];
	s0 =	simm.s32 @p0 $0x1  }
0x13: {  	[smem:$0x3FB6] =	sst s0;
	s0 =	simm.s32 @!p1 $0x0  }
0x14: {  	s2 =	sld [smem:$0x3F9A];
	s0 =	simm.s32 @p1 $0x1  }
0x15: {  	[smem:$0x3FB7] =	sst s0;
	s0 =	simm.s32 @!p2 $0x0  }
0x16: {  	s3 =	sld [smem:$0x3FDB];
	s0 =	simm.s32 @p2 $0x1  }
0x17: {  	s4 =	simm.s32 $0x1BF5;
	[smem:$0x3FB9] =	sst s0  }
0x18: {  	s0 =	sld [smem:$0x3F9C];
	_ =	swait.ge [sflag:s4], $0x0  }
0x19: {  	s7 =	sld [smem:$0x3F9D]  }
0x1a: {  	s8 =	sadd.s32 $0xFFFFE003, lr  }
0x1b: {  	s9 =	sadd.s32 $0xFFFFFEF7, lr;
	s5 =	simm.s32 $0xFFFFFFFF;
	p2 =	slt.u32 s8, $0xFFFFF086  }
0x1c: {  	p1 =	slt.u32 s9, $0xF7A;
	s5 =	simm.s32 @!p2 $0x0  }
0x1d: {  	s5 =	simm.s32 @p1 $0x1;
	p0 =	seq.s32 s7, s2  }
0x1e: {  	s7 =	smul.u32 @!p0 $0xF7A, s2;
	p2 =	seq.s32 @!p0 s5, $0x0  }
0x1f: {  	s9 =	smul.u32 $0xF7A, s1;
	s8 =	simm.s32 @!p0 $0x1BF5;
	p2 =	por !p2, p0  }
0x20: {  	[sflag:s8] =	ssyncset.s32 @!p0 $0xFFFFF086;
	s6 =	sadd.s32 @!p0 s3, s7;
	s7 =	simm.s32 @!p0 $0x108  }
0x21: {  	s3 =	sadd.s32 s3, s9;
	s6 =	sadd.s32 @!p0 $0x88, s6;
	s7 =	simm.s32 @p2 $0x1082  }
0x22: {  	[simem:s7], [sflag:s8] =	dma.local @!p0 [hbm:s6], $0xF7A  }
0x23: {  	s9 =	sor.u32 $0xD0000000, s2;
	s6 =	simm.s32 $0x108;
	_ =	swait.ge @!p0 [sflag:s8], $0x0  }
0x24: {  	s3 =	sadd.s32 $0x88, s3;
	s6 =	simm.s32 @!p1 $0x1082;
	[sflag:s4] =	ssyncset.s32 $0xFFFFF086  }
0x25: {  	[simem:s6], [sflag:s4] =	dma.local [hbm:s3], $0xF7A  }
0x26: {  	[smem:$0x3F9D] =	sst s1;
	(tag) =	ssettag s2;
	_ =	strace s9  }
0x27: {  	s1 =	sld [smem:$0x3FAD]  }
0x28: {  	s2 =	sld [smem:$0x3FAE]  }
0x29: {  	s4 =	sld [smem:$0x3FB0]  }
0x2a: {  	p0 =	seq.s32 s5, $0x0;
	s5 =	sld [smem:$0x3FB1]  }
0x2b: {  	s6 =	sld [smem:$0x3FB2]  }
0x2c: {  	s7 =	sld [smem:$0x3FB3]  }
0x2d: {  	s3 =	simm.s32 $0x108;
	s8 =	sld [smem:$0x3FB4]  }
0x2e: {  	s3 =	simm.s32 @!p0 $0x1082;
	s9 =	sld [smem:$0x3FB5]  }
0x2f: {  	lr =	sadd.s32 s0, s3;
	s0 =	sld [smem:$0x3FAC]  }
0x30: {  	s3 =	sld [smem:$0x3FAF]  }
0x31: {  	[smem:$0x3FB8] =	sst s10  }
0x32: {  	s10 =	sld [smem:$0x3FB6];
	_ =	sdelay $0x3  }
0x33: {  	p0 =	seq.s32 s10, $0x1;
	s10 =	sld [smem:$0x3FB8];
	_ =	sdelay $0x3  }
0x34: {  	[smem:$0x3FB8] =	sst s10  }
0x35: {  	s10 =	sld [smem:$0x3FB7];
	_ =	sdelay $0x3  }
0x36: {  	p1 =	seq.s32 s10, $0x1;
	s10 =	sld [smem:$0x3FB8];
	_ =	sdelay $0x3  }
0x37: {  	[smem:$0x3FB8] =	sst s10  }
0x38: {  	s10 =	sld [smem:$0x3FB9]  }
0x39: {  	_ = 	snop;
	(pc) =	sbr.ind lr, $3  }
0x3a: {  	_ = 	snop  }
0x3b: {  	_ = 	snop  }
0x3c: {  	p2 =	seq.s32 s10, $0x1;
	s10 =	sld [smem:$0x3FB8]  }
0x3d: {  	_ =	shalt  }
0x3e: {  	_ =	shalt  }
0x3f: {  	_ =	shalt  }
0x40: {  	_ =	shalt  }
0x41: {  	_ =	shalt  }
0x42: {  	_ =	shalt  }
0x43: {  	_ =	shalt  }
0x44: {  	_ =	shalt  }
0x45: {  	_ =	shalt  }
0x46: {  	_ =	shalt  }
0x47: {  	_ =	shalt  }
0x48: {  	_ =	shalt  }
0x49: {  	_ =	shalt  }
0x4a: {  	_ =	shalt  }
0x4b: {  	_ =	shalt  }
0x4c: {  	_ =	shalt  }
0x4d: {  	_ =	shalt  }
0x4e: {  	_ =	shalt  }
0x4f: {  	_ =	shalt  }
0x50: {  	_ =	shalt  }
0x51: {  	_ =	shalt  }
0x52: {  	_ =	shalt  }
0x53: {  	_ =	shalt  }
0x54: {  	_ =	shalt  }
0x55: {  	_ =	shalt  }
0x56: {  	_ =	shalt  }
0x57: {  	_ =	shalt  }
0x58: {  	_ =	shalt  }
0x59: {  	_ =	shalt  }
0x5a: {  	_ =	shalt  }
0x5b: {  	_ =	shalt  }
0x5c: {  	_ =	shalt  }
0x5d: {  	_ =	shalt  }
0x5e: {  	_ =	shalt  }
0x5f: {  	_ =	shalt  }
0x60: {  	_ =	shalt  }
0x61: {  	_ =	shalt  }
0x62: {  	_ =	shalt  }
0x63: {  	_ =	shalt  }
0x64: {  	_ =	shalt  }
0x65: {  	_ =	shalt  }
0x66: {  	_ =	shalt  }
0x67: {  	_ =	shalt  }
0x68: {  	_ =	shalt  }
0x69: {  	_ =	shalt  }
0x6a: {  	_ =	shalt  }
0x6b: {  	_ =	shalt  }
0x6c: {  	_ =	shalt  }
0x6d: {  	_ =	shalt  }
0x6e: {  	_ =	shalt  }
0x6f: {  	_ =	shalt  }
0x70: {  	_ =	shalt  }
0x71: {  	_ =	shalt  }
0x72: {  	_ =	shalt  }
0x73: {  	_ =	shalt  }
0x74: {  	_ =	shalt  }
0x75: {  	_ =	shalt  }
0x76: {  	_ =	shalt  }
0x77: {  	_ =	shalt  }
0x78: {  	_ =	shalt  }
0x79: {  	_ =	shalt  }
0x7a: {  	_ =	shalt  }
0x7b: {  	_ =	shalt  }
0x7c: {  	_ =	shalt  }
0x7d: {  	_ =	shalt  }
0x7e: {  	_ =	shalt  }
0x7f: {  	_ =	shalt  }
0x80: {  	_ =	shalt  }
0x81: {  	_ =	shalt  }
0x82: {  	_ =	shalt  }
0x83: {  	_ =	shalt  }
0x84: {  	_ =	shalt  }
0x85: {  	_ =	shalt  }
0x86: {  	_ =	shalt  }
0x87: {  	_ =	shalt  }
.Lfunc_end0:
.L_simem_size_0:
called_computation_lowered:
.L_overlay_start_0:
0x88: {  	s2 =	sld [smem:$0x3FD9]  }
0x89: {  	s3 =	sld [smem:$0x3FFE];
	_ =	sdelay $0x1  }
0x8a: {  	s1 =	srdreg.scid  }
0x8b: {  	s0 =	sand.u32 $0x1, s1  }
0x8c: {  	s15 =	sshll.u32 s0, $0xA;
	s2 =	sadd.s32 s3, s2  }
0x8d: {  	s2 =	sadd.s32 s2, s15  }
0x8e: {  	[smem:$0x3FC4] =	sst s2  }
0x8f: {  	_ = 	snop  }
0x90: {  	s2 =	sld [smem:$0x3FC9]  }
0x91: {  	s16 =	sld [smem:$0x3FD0]  }
0x92: {  	s4 =	sld [smem:$0x3FC8]  }
0x93: {  	s5 =	sld [smem:$0x3FC7]  }
0x94: {  	s7 =	simm.s32 $0xA;
	s8 =	simm.s32 $0x10;
	s6 =	sld [smem:$0x3FC6]  }
0x95: {  	[smem:s8], [sflag:s7] =	dma.local [hbm:s16], $0x1  }
0x96: {  	_ =	swait.eq [sflag:s7], $0x1  }
0x97: {  	[sflag:s7] =	ssyncset.done $0x0  }
0x98: {  	s17 =	sld [smem:$0x10];
	[sflag:s7] =	ssyncadd.s32 $0xFFFFFFFF  }
0x99: {  	s18 =	sld [smem:$0x11];
	(tm) =	ssettm $0x1  }
0x9a: {  	s19 =	sld [smem:$0x3FFB];
	_ =	sdelay $0x3  }
0x9b: {  	_ =	strace s19  }
0x9c: {  	s8 =	sld [smem:$0x3FFC];
	_ =	sdelay $0x3  }
0x9d: {  	_ =	strace s8  }
0x9e: {  	s8 =	sld [smem:$0x3FFD];
	_ =	sdelay $0x3  }
0x9f: {  	_ =	strace s8  }
0xa0: {  	_ =	strace $0x8FFFFFFF  }
0xa1: {  	s20 =	sld [smem:$0x3FDB];
	_ =	sdelay $0x1  }
0xa2: {  	s9 =	simm.s32 $_scs_section_size  }
0xa3: {  	s10 =	simm.s32 $_size__tile_overlayer_lowered;
	s11 =	simm.s32 $_tile_overlayer_lowered  }
0xa4: {  	s23 =	simm.s32 $0x1BFF;
	s22 =	sshll.u32 s11, $0x1;
	s8 =	sadd.s32 s9, s20  }
0xa5: {  	s12 =	simm.s32 $0x0;
	s21 =	sshll.u32 s10, $0x1;
	s10 =	sadd.s32 s22, s8  }
0xa6: {  	[timem:s12], [sflag:s23] =	dma.local [hbm:s10], s21  }
0xa7: {  	_ =	swait.ge [sflag:s23], s21  }
0xa8: {  	s9 =	ssub.s32 $0x0, s21;
	[sflag:s23] =	ssyncset.done $0x0  }
0xa9: {  	[sflag:s23] =	ssyncadd.s32 s9;
	_ =	sdelay $0x1  }
0xaa: {  	s24 =	simm.s32 $0x1B8B  }
0xab: {  	_ =	swait.ge [sflag:s24], $0x1  }
0xac: {  	[sflag:s24] =	ssyncset.done $0x0  }
0xad: {  	s25 =	simm.s32 $0x1B8E;
	[sflag:s24] =	ssyncadd.s32 $0xFFFFFFFF  }
0xae: {  	s26 =	simm.s32 $execute0_lowered;
	[smem:$0x3FD2] =	sst s25  }
0xaf: {  	s9 =	sshll.u32 s26, $0x1;
	_ =	strace $0x80000046;
	[dreg:$0x1] =	wrdreg $0xFFFFFFFF  }
0xb0: {  	s28 =	simm.s32 $_size_execute0_lowered;
	s8 =	sadd.s32 s8, s9;
	[dreg:$0x0] =	wrdreg $0x0  }
0xb1: {  	s9 =	sshll.u32 s28, $0x1;
	[dreg:$0x2] =	wrdreg s8  }
0xb2: {  	[dreg:$0x3] =	wrdreg s9  }
0xb3: {  	[dreg:$0x4] =	wrdreg $0xC0  }
0xb4: {  	_ =	task [dreg:s12], $0x5FFFF  }
0xb5: {  	[dreg:$0x1] =	wrdreg $0xFFFFFFFF  }
0xb6: {  	[dreg:$0x0] =	wrdreg $0x60  }
0xb7: {  	[dreg:$0x2] =	wrdreg s2  }
0xb8: {  	[dreg:$0x3] =	wrdreg s4  }
0xb9: {  	[dreg:$0x4] =	wrdreg s5  }
0xba: {  	[dreg:$0x5] =	wrdreg s6  }
0xbb: {  	[dreg:$0x6] =	wrdreg s17  }
0xbc: {  	[dreg:$0x7] =	wrdreg s18  }
0xbd: {  	[dreg:$0x8] =	wrdreg $0x9  }
0xbe: {  	_ =	task.clear_ibuf [dreg:s12], $0x9FFFF;
	_ =	strace $0x90000046  }
0xbf: {  	s29 =	simm.s32 $0x9;
	_ =	strace $0x80000048  }
0xc0: {  	_ =	swait.ge [sflag:s29], $0x1  }
0xc1: {  	[sflag:s29] =	ssyncadd.s32 $0xFFFFFFFF  }
0xc2: {  	_ =	strace $0x90000048  }
0xc3: {  	_ =	sfence  }
0xc4: {  	s30 =	sld [smem:$0x0];
	_ =	sdelay $0x2  }
0xc5: {  	s31 =	sshll.u32 s1, $0xD;
	s1 =	sshrl.u32 s1, $0x2  }
0xc6: {  	s3 =	sand.u32 $0x4000, s31;
	s1 =	sadd.s32 s1, s30  }
0xc7: {  	s0 =	sor.u32 s3, s0;
	s1 =	sshll.u32 s1, $0x11  }
0xc8: {  	s0 =	sor.u32 s1, s0  }
0xc9: {  	s0 =	sadd.s32 $0x8F2B, s0  }
0xca: {  	[sflag:s0] =	ssyncadd.remote.s32 $0x1  }
0xcb: {  	_ =	sfence.sel $0xFFFF  }
0xcc: {  	[dreg:$0x0] =	wrdreg $0xFFFFFFFF;
	(pc) =	sbr.abs _section_cstart, $3  }
0xcd: {  	[dreg:$0x1] =	wrdreg $0xFFFFFFFF  }
0xce: {  	_ =	task.clear_ibuf [dreg:s12], $0x2FFFF;
	_ =	strace $0x9FFFFFFF  }
0xcf: {  	(tm) =	ssettm $0x7FFFFFFF  }
tec
execute0_lowered:
.L_overlay_start_1:
0x0: {  	(tag) =	ssettag $0x1  }
0x1: {  	s0 =	rddreg [dreg:$0x0]  }
0x2: {  	s6 =	rddreg [dreg:$0x1]  }
0x3: {  	s1 =	rddreg [dreg:$0x2]  }
0x4: {  	s2 =	srdreg.scid;
	s7 =	rddreg [dreg:$0x3]  }
0x5: {  	s3 =	stileid.u32;
	s4 =	rddreg [dreg:$0x5]  }
0x6: {  	p0 =	por $0x0, $0x0;
	s8 =	sand.u32 $0x1, s2;
	s16 =	sshll.u32 s3, $0x1  }
0x7: {  	s3 =	rddreg [dreg:$0x4];
	s2 =	simm.s32 $0x0;
	s9 =	sor.u32 s8, s16  }
0x8: {  	[smem:$0x7FF] =	sst s2;
	s8 =	ssub.s32 $0x2, s8;
	s17 =	sshll.u32 s9, $0xF  }
0x9: {  	s5 =	smul.u32 $0x600, s9;
	_ =	strace $0x80000047;
	s18 =	sadd.s32 s0, s17  }
0xa: {  	s12 =	sor.u32 $0x1E00, s17;
	s20 =	sadd.s32 s3, s17;
	[dreg:$0x9] =	wrdreg s18  }
0xb: {  	s13 =	sor.u32 $0x3C00, s17;
	s19 =	sadd.s32 s0, s12;
	[dreg:$0xb] =	wrdreg s20  }
0xc: {  	s26 =	smul.u32 $0xC0000, s9;
	s21 =	sadd.s32 s0, s13;
	[dreg:$0xa] =	wrdreg s19  }
0xd: {  	s23 =	sor.u32 $0x5A00, s17;
	s22 =	sadd.s32 s3, s12;
	[dreg:$0xc] =	wrdreg s21  }
0xe: {  	s10 =	sadd.s32 $0x4000, s5;
	s24 =	sadd.s32 s0, s23;
	[dreg:$0xd] =	wrdreg s22  }
0xf: {  	s5 =	sshll.u32 s9, $0x6;
	s25 =	sadd.s32 s3, s13;
	[dreg:$0xe] =	wrdreg s24  }
0x10: {  	s9 =	sadd.s32 s3, s23;
	s11 =	sadd.s32 s6, s5;
	[dreg:$0xf] =	wrdreg s25  }
0x11: {  	s6 =	sshrl.u32 s10, $0x3;
	s12 =	sshll.u32 s10, $0x6;
	[dreg:$0x11] =	wrdreg s9  }
0x12: {  	s22 =	sshrl.u32 s8, $0x1;
	[dreg:$0x7] =	wrdreg s11;
	s7 =	sadd.s32 s7, s6  }
0x13: {  	s11 =	sor.u32 $0x7800, s17;
	s13 =	sadd.s32 s1, s12;
	s17 =	sadd.s32 s3, s12  }
0x14: {  	[dreg:$0x8] =	wrdreg s7;
	s0 =	sadd.s32 s0, s11;
	s7 =	sshrl.u32 s26, $0x3  }
0x15: {  	[dreg:$0x12] =	wrdreg s13;
	s15 =	sadd.s32 $0x101E00, s7;
	s18 =	sadd.s32 $0x103C00, s7  }
0x16: {  	s14 =	sadd.s32 s3, s11;
	s21 =	sadd.s32 $0x105A00, s7;
	s25 =	sadd.s32 $0x107800, s7  }
0x17: {  	s11 =	ssub.s32 s8, s22;
	s8 =	sadd.s32 $0x109600, s7;
	s9 =	sadd.s32 $0x10B400, s7  }
0x18: {  	[dreg:$0x15] =	wrdreg s17;
	s10 =	sadd.s32 $0x10D200, s7;
	s12 =	sadd.s32 $0x10F000, s7  }
0x19: {  	[dreg:$0x13] =	wrdreg s14;
	s13 =	sadd.s32 $0x110E00, s7;
	s14 =	sadd.s32 $0x112C00, s7  }
0x1a: {  	[dreg:$0x10] =	wrdreg s0;
	s17 =	sadd.s32 $0x114A00, s7;
	s7 =	sadd.s32 $0x116800, s7  }
0x1b: {  	s0 =	rddreg [dreg:$0x7];
	s16 =	sadd.s32 s1, s15;
	s19 =	sadd.s32 s1, s18  }
0x1c: {  	s20 =	sadd.s32 s3, s15;
	s23 =	sadd.s32 s1, s21;
	s24 =	sadd.s32 s3, s18  }
0x1d: {  	s26 =	sadd.s32 s1, s25;
	s31 =	sadd.s32 s3, s21;
	[dreg:$0x14] =	wrdreg s16  }
0x1e: {  	s30 =	sadd.s32 s1, s8;
	s29 =	sadd.s32 s3, s25;
	[dreg:$0x16] =	wrdreg s19  }
0x1f: {  	s28 =	sadd.s32 s1, s9;
	s25 =	sadd.s32 s1, s10;
	[dreg:$0x17] =	wrdreg s20  }
0x20: {  	s22 =	sadd.s32 s3, s10;
	s21 =	sadd.s32 s1, s13;
	[dreg:$0x18] =	wrdreg s23  }
0x21: {  	s15 =	sadd.s32 s1, s17;
	s10 =	sadd.s32 s1, s7;
	[dreg:$0x19] =	wrdreg s24  }
0x22: {  	s18 =	smax.u32 s11, $0x1;
	s11 =	simm.s32 $0x4;
	[dreg:$0x1a] =	wrdreg s26  }
0x23: {  	s26 =	sadd.s32 s3, s8;
	s24 =	sadd.s32 s3, s9;
	s23 =	sadd.s32 s1, s12  }
0x24: {  	s20 =	sadd.s32 s3, s12;
	s19 =	sadd.s32 s1, s14;
	p1 =	sne.s32 s18, $0x1  }
.Ltmp0:
0x25: {  	s16 =	sadd.s32 s3, s13;
	s12 =	sadd.s32 s3, s14;
	(pc) =	sbr.rel @!p1 .LBB2_3-.Ltmp0, $4  }
0x26: {  	s9 =	sadd.s32 s3, s17;
	s8 =	sadd.s32 s3, s7;
	s3 =	sadd.s32 s4, s5  }
0x27: {  	s4 =	sadd.s32 s4, s6;
	s5 =	simm.s32 $0x1E000;
	s6 =	simm.s32 $0x1E200  }
0x28: {  	s1 =	sadd.s32 $0xFFFFFFFF, s18;
	s14 =	simm.s32 $0xF000;
	s18 =	simm.s32 $0x1  }
0x29: {  	s13 =	simm.s32 $0x3;
	s17 =	simm.s32 $0x2;
	s7 =	simm.s32 $0x5  }
0x2a: {  	[dreg:$0x1b] =	wrdreg s1  }
0x2b: {  	[tilespmem:s5], [sflag:$0x5] =	stream.linear.gather [hbm4b:s0+s2], $0x200, $0x38;
	[tilespmem:$0x1E800] =	vst v63  }
0x2c: {  	s1 =	rddreg [dreg:$0x8]  }
0x2d: {  	[tilespmem:s6], [sflag:$0x5] =	stream.linear.gather [hbm4b:s1+s2], $0x600, $0x38;
	[tilespmem:$0x1E800] =	vst v63  }
0x2e: {  	s0 =	rddreg [dreg:$0x9]  }
0x2f: {  	[tilespmem:s2], [sflag:$0x1] =	stream.linear.gather [hbm4b:s0+s2], $0xF000, $0x38;
	[tilespmem:$0x1E800] =	vst v63  }
0x30: {  	s1 =	rddreg [dreg:$0xa]  }
0x31: {  	[tilespmem:s14], [sflag:$0x2] =	stream.linear.gather [hbm4b:s1+s2], $0xF000, $0x38;
	[tilespmem:$0x1E800] =	vst v63  }
0x32: {  	_ =	swait.ge [sflag:s18], $0xF000  }
0x33: {  	[sflag:s18] =	ssyncset.done $0x0  }
0x34: {  	s1 =	rddreg [dreg:$0xb];
	[sflag:s18] =	ssyncadd.s32 $0xFFFF1000  }
0x35: {  	[hbm4b:s1+s2] =	stream.linear.scatter [tilespmem:s2], [sflag:$0x3], $0xF000, $0x38;
	[tilespmem:$0x1E800] =	vst v63  }
0x36: {  	_ =	swait.ge [sflag:s13], $0xF000  }
0x37: {  	[sflag:s13] =	ssyncset.done $0x0  }
0x38: {  	s1 =	rddreg [dreg:$0xc];
	[sflag:s13] =	ssyncadd.s32 $0xFFFF1000  }
0x39: {  	[tilespmem:s2], [sflag:$0x1] =	stream.linear.gather [hbm4b:s1+s2], $0xF000, $0x38;
	[tilespmem:$0x1E800] =	vst v63  }
0x3a: {  	_ =	swait.ge [sflag:s17], $0xF000  }
0x3b: {  	[sflag:s17] =	ssyncset.done $0x0  }
0x3c: {  	s1 =	rddreg [dreg:$0xd];
	[sflag:s17] =	ssyncadd.s32 $0xFFFF1000  }
0x3d: {  	[hbm4b:s1+s2] =	stream.linear.scatter [tilespmem:s14], [sflag:$0x4], $0xF000, $0x38;
	[tilespmem:$0x1E800] =	vst v63  }
0x3e: {  	_ =	swait.ge [sflag:s11], $0xF000  }
0x3f: {  	[sflag:s11] =	ssyncset.done $0x0  }
0x40: {  	s1 =	rddreg [dreg:$0xe];
	[sflag:s11] =	ssyncadd.s32 $0xFFFF1000  }
0x41: {  	[tilespmem:s14], [sflag:$0x2] =	stream.linear.gather [hbm4b:s1+s2], $0xF000, $0x38;
	[tilespmem:$0x1E800] =	vst v63  }
0x42: {  	_ =	swait.ge [sflag:s18], $0xF000  }
0x43: {  	[sflag:s18] =	ssyncset.done $0x0  }
0x44: {  	s1 =	rddreg [dreg:$0xf];
	[sflag:s18] =	ssyncadd.s32 $0xFFFF1000  }
0x45: {  	[hbm4b:s1+s2] =	stream.linear.scatter [tilespmem:s2], [sflag:$0x3], $0xF000, $0x38;
	[tilespmem:$0x1E800] =	vst v63  }
0x46: {  	_ =	swait.ge [sflag:s13], $0xF000  }
0x47: {  	[sflag:s13] =	ssyncset.done $0x0  }
0x48: {  	s1 =	rddreg [dreg:$0x10];
	[sflag:s13] =	ssyncadd.s32 $0xFFFF1000  }
0x49: {  	[tilespmem:s2], [sflag:$0x1] =	stream.linear.gather [hbm4b:s1+s2], $0x4000, $0x38;
	[tilespmem:$0x1E800] =	vst v63  }
0x4a: {  	_ =	swait.ge [sflag:s17], $0xF000  }
0x4b: {  	[sflag:s17] =	ssyncset.done $0x0  }
0x4c: {  	s1 =	rddreg [dreg:$0x11];
	[sflag:s17] =	ssyncadd.s32 $0xFFFF1000  }
0x4d: {  	[hbm4b:s1+s2] =	stream.linear.scatter [tilespmem:s14], [sflag:$0x4], $0xF000, $0x38;
	[tilespmem:$0x1E800] =	vst v63  }
0x4e: {  	_ =	swait.ge [sflag:s11], $0xF000  }
0x4f: {  	[sflag:s11] =	ssyncset.done $0x0  }
0x50: {  	s1 =	rddreg [dreg:$0x12];
	[sflag:s11] =	ssyncadd.s32 $0xFFFF1000  }
0x51: {  	[tilespmem:s14], [sflag:$0x2] =	stream.linear.gather [hbm4b:s1+s2], $0xF000, $0x38;
	[tilespmem:$0x1E800] =	vst v63  }
0x52: {  	_ =	swait.ge [sflag:s18], $0x4000  }
0x53: {  	[sflag:s18] =	ssyncset.done $0x0  }
0x54: {  	s1 =	rddreg [dreg:$0x13];
	[sflag:s18] =	ssyncadd.s32 $0xFFFFC000  }
0x55: {  	[hbm4b:s1+s2] =	stream.linear.scatter [tilespmem:s2], [sflag:$0x3], $0x4000, $0x38;
	[tilespmem:$0x1E800] =	vst v63  }
0x56: {  	_ =	swait.ge [sflag:s13], $0x4000  }
0x57: {  	[sflag:s13] =	ssyncset.done $0x0  }
0x58: {  	s1 =	rddreg [dreg:$0x14];
	[sflag:s13] =	ssyncadd.s32 $0xFFFFC000  }
0x59: {  	[tilespmem:s2], [sflag:$0x1] =	stream.linear.gather [hbm4b:s1+s2], $0xF000, $0x38;
	[tilespmem:$0x1E800] =	vst v63  }
0x5a: {  	_ =	swait.ge [sflag:s17], $0xF000  }
0x5b: {  	[sflag:s17] =	ssyncset.done $0x0  }
0x5c: {  	s1 =	rddreg [dreg:$0x15];
	[sflag:s17] =	ssyncadd.s32 $0xFFFF1000  }
0x5d: {  	[hbm4b:s1+s2] =	stream.linear.scatter [tilespmem:s14], [sflag:$0x4], $0xF000, $0x38;
	[tilespmem:$0x1E800] =	vst v63  }
0x5e: {  	_ =	swait.ge [sflag:s11], $0xF000  }
0x5f: {  	[sflag:s11] =	ssyncset.done $0x0  }
0x60: {  	s1 =	rddreg [dreg:$0x16];
	[sflag:s11] =	ssyncadd.s32 $0xFFFF1000  }
0x61: {  	[tilespmem:s14], [sflag:$0x2] =	stream.linear.gather [hbm4b:s1+s2], $0xF000, $0x38;
	[tilespmem:$0x1E800] =	vst v63  }
0x62: {  	_ =	swait.ge [sflag:s18], $0xF000  }
0x63: {  	[sflag:s18] =	ssyncset.done $0x0  }
0x64: {  	s1 =	rddreg [dreg:$0x17];
	[sflag:s18] =	ssyncadd.s32 $0xFFFF1000  }
0x65: {  	[hbm4b:s1+s2] =	stream.linear.scatter [tilespmem:s2], [sflag:$0x3], $0xF000, $0x38;
	[tilespmem:$0x1E800] =	vst v63  }
0x66: {  	_ =	swait.ge [sflag:s13], $0xF000  }
0x67: {  	[sflag:s13] =	ssyncset.done $0x0  }
0x68: {  	s1 =	rddreg [dreg:$0x18];
	[sflag:s13] =	ssyncadd.s32 $0xFFFF1000  }
0x69: {  	[tilespmem:s2], [sflag:$0x1] =	stream.linear.gather [hbm4b:s1+s2], $0xF000, $0x38;
	[tilespmem:$0x1E800] =	vst v63  }
0x6a: {  	_ =	swait.ge [sflag:s17], $0xF000  }
0x6b: {  	[sflag:s17] =	ssyncset.done $0x0  }
0x6c: {  	s1 =	rddreg [dreg:$0x19];
	[sflag:s17] =	ssyncadd.s32 $0xFFFF1000  }
0x6d: {  	[hbm4b:s1+s2] =	stream.linear.scatter [tilespmem:s14], [sflag:$0x4], $0xF000, $0x38;
	[tilespmem:$0x1E800] =	vst v63  }
0x6e: {  	_ =	swait.ge [sflag:s11], $0xF000  }
0x6f: {  	[sflag:s11] =	ssyncset.done $0x0  }
0x70: {  	s1 =	rddreg [dreg:$0x1a];
	[sflag:s11] =	ssyncadd.s32 $0xFFFF1000  }
0x71: {  	[tilespmem:s14], [sflag:$0x2] =	stream.linear.gather [hbm4b:s1+s2], $0xF000, $0x38;
	[tilespmem:$0x1E800] =	vst v63  }
0x72: {  	_ =	swait.ge [sflag:s18], $0xF000  }
0x73: {  	[sflag:s18] =	ssyncset.done $0x0  }
0x74: {  	[sflag:s18] =	ssyncadd.s32 $0xFFFF1000  }
0x75: {  	[hbm4b:s31+s2] =	stream.linear.scatter [tilespmem:s2], [sflag:$0x3], $0xF000, $0x38;
	[tilespmem:$0x1E800] =	vst v63  }
0x76: {  	_ =	swait.ge [sflag:s13], $0xF000  }
0x77: {  	[sflag:s13] =	ssyncset.done $0x0  }
0x78: {  	[sflag:s13] =	ssyncadd.s32 $0xFFFF1000  }
0x79: {  	[tilespmem:s2], [sflag:$0x1] =	stream.linear.gather [hbm4b:s30+s2], $0xF000, $0x38;
	[tilespmem:$0x1E800] =	vst v63  }
0x7a: {  	_ =	swait.ge [sflag:s17], $0xF000  }
0x7b: {  	[sflag:s17] =	ssyncset.done $0x0  }
0x7c: {  	[sflag:s17] =	ssyncadd.s32 $0xFFFF1000  }
0x7d: {  	[hbm4b:s29+s2] =	stream.linear.scatter [tilespmem:s14], [sflag:$0x4], $0xF000, $0x38;
	[tilespmem:$0x1E800] =	vst v63  }
0x7e: {  	_ =	swait.ge [sflag:s11], $0xF000  }
0x7f: {  	[sflag:s11] =	ssyncset.done $0x0  }
0x80: {  	[sflag:s11] =	ssyncadd.s32 $0xFFFF1000  }
0x81: {  	[tilespmem:s14], [sflag:$0x2] =	stream.linear.gather [hbm4b:s28+s2], $0xF000, $0x38;
	[tilespmem:$0x1E800] =	vst v63  }
0x82: {  	_ =	swait.ge [sflag:s18], $0xF000  }
0x83: {  	[sflag:s18] =	ssyncset.done $0x0  }
0x84: {  	[sflag:s18] =	ssyncadd.s32 $0xFFFF1000  }
0x85: {  	[hbm4b:s26+s2] =	stream.linear.scatter [tilespmem:s2], [sflag:$0x3], $0xF000, $0x38;
	[tilespmem:$0x1E800] =	vst v63  }
0x86: {  	_ =	swait.ge [sflag:s13], $0xF000  }
0x87: {  	[sflag:s13] =	ssyncset.done $0x0  }
0x88: {  	[sflag:s13] =	ssyncadd.s32 $0xFFFF1000  }
0x89: {  	[tilespmem:s2], [sflag:$0x1] =	stream.linear.gather [hbm4b:s25+s2], $0xF000, $0x38;
	[tilespmem:$0x1E800] =	vst v63  }
0x8a: {  	_ =	swait.ge [sflag:s17], $0xF000  }
0x8b: {  	[sflag:s17] =	ssyncset.done $0x0  }
0x8c: {  	[sflag:s17] =	ssyncadd.s32 $0xFFFF1000  }
0x8d: {  	[hbm4b:s24+s2] =	stream.linear.scatter [tilespmem:s14], [sflag:$0x4], $0xF000, $0x38;
	[tilespmem:$0x1E800] =	vst v63  }
0x8e: {  	_ =	swait.ge [sflag:s11], $0xF000  }
0x8f: {  	[sflag:s11] =	ssyncset.done $0x0  }
0x90: {  	[sflag:s11] =	ssyncadd.s32 $0xFFFF1000  }
0x91: {  	[tilespmem:s14], [sflag:$0x2] =	stream.linear.gather [hbm4b:s23+s2], $0xF000, $0x38;
	[tilespmem:$0x1E800] =	vst v63  }
0x92: {  	_ =	swait.ge [sflag:s18], $0xF000  }
0x93: {  	[sflag:s18] =	ssyncset.done $0x0  }
0x94: {  	[sflag:s18] =	ssyncadd.s32 $0xFFFF1000  }
0x95: {  	[hbm4b:s22+s2] =	stream.linear.scatter [tilespmem:s2], [sflag:$0x3], $0xF000, $0x38;
	[tilespmem:$0x1E800] =	vst v63  }
0x96: {  	_ =	swait.ge [sflag:s13], $0xF000  }
0x97: {  	[sflag:s13] =	ssyncset.done $0x0  }
0x98: {  	[sflag:s13] =	ssyncadd.s32 $0xFFFF1000  }
0x99: {  	[tilespmem:s2], [sflag:$0x1] =	stream.linear.gather [hbm4b:s21+s2], $0xF000, $0x38;
	[tilespmem:$0x1E800] =	vst v63  }
0x9a: {  	_ =	swait.ge [sflag:s17], $0xF000  }
0x9b: {  	[sflag:s17] =	ssyncset.done $0x0  }
0x9c: {  	[sflag:s17] =	ssyncadd.s32 $0xFFFF1000  }
0x9d: {  	[hbm4b:s20+s2] =	stream.linear.scatter [tilespmem:s14], [sflag:$0x4], $0xF000, $0x38;
	[tilespmem:$0x1E800] =	vst v63  }
0x9e: {  	_ =	swait.ge [sflag:s11], $0xF000  }
0x9f: {  	[sflag:s11] =	ssyncset.done $0x0  }
0xa0: {  	[sflag:s11] =	ssyncadd.s32 $0xFFFF1000  }
0xa1: {  	[tilespmem:s14], [sflag:$0x2] =	stream.linear.gather [hbm4b:s19+s2], $0xF000, $0x38;
	[tilespmem:$0x1E800] =	vst v63  }
0xa2: {  	_ =	swait.ge [sflag:s18], $0xF000  }
0xa3: {  	[sflag:s18] =	ssyncset.done $0x0  }
0xa4: {  	[sflag:s18] =	ssyncadd.s32 $0xFFFF1000  }
0xa5: {  	[hbm4b:s16+s2] =	stream.linear.scatter [tilespmem:s2], [sflag:$0x3], $0xF000, $0x38;
	[tilespmem:$0x1E800] =	vst v63  }
0xa6: {  	_ =	swait.ge [sflag:s13], $0xF000  }
0xa7: {  	[sflag:s13] =	ssyncset.done $0x0  }
0xa8: {  	[sflag:s13] =	ssyncadd.s32 $0xFFFF1000  }
0xa9: {  	[tilespmem:s2], [sflag:$0x1] =	stream.linear.gather [hbm4b:s15+s2], $0xF000, $0x38;
	[tilespmem:$0x1E800] =	vst v63  }
0xaa: {  	_ =	swait.ge [sflag:s17], $0xF000  }
0xab: {  	[sflag:s17] =	ssyncset.done $0x0  }
0xac: {  	[sflag:s17] =	ssyncadd.s32 $0xFFFF1000  }
0xad: {  	[hbm4b:s12+s2] =	stream.linear.scatter [tilespmem:s14], [sflag:$0x4], $0xF000, $0x38;
	[tilespmem:$0x1E800] =	vst v63  }
0xae: {  	_ =	swait.ge [sflag:s11], $0xF000  }
0xaf: {  	[sflag:s11] =	ssyncset.done $0x0  }
0xb0: {  	[sflag:s11] =	ssyncadd.s32 $0xFFFF1000  }
0xb1: {  	[tilespmem:s14], [sflag:$0x2] =	stream.linear.gather [hbm4b:s10+s2], $0xC000, $0x38;
	[tilespmem:$0x1E800] =	vst v63  }
0xb2: {  	_ =	swait.ge [sflag:s18], $0xF000  }
0xb3: {  	[sflag:s18] =	ssyncset.done $0x0  }
0xb4: {  	[sflag:s18] =	ssyncadd.s32 $0xFFFF1000  }
0xb5: {  	[hbm4b:s9+s2] =	stream.linear.scatter [tilespmem:s2], [sflag:$0x3], $0xF000, $0x38;
	[tilespmem:$0x1E800] =	vst v63  }
0xb6: {  	_ =	swait.ge [sflag:s17], $0xC000  }
0xb7: {  	[sflag:s17] =	ssyncset.done $0x0  }
0xb8: {  	[sflag:s17] =	ssyncadd.s32 $0xFFFF4000  }
0xb9: {  	[hbm4b:s8+s2] =	stream.linear.scatter [tilespmem:s14], [sflag:$0x4], $0xC000, $0x38;
	[tilespmem:$0x1E800] =	vst v63  }
0xba: {  	_ =	swait.ge [sflag:s13], $0xF000  }
0xbb: {  	[sflag:s13] =	ssyncset.done $0x0  }
0xbc: {  	[sflag:s13] =	ssyncadd.s32 $0xFFFF1000  }
0xbd: {  	_ =	swait.ge [sflag:s11], $0xC000  }
0xbe: {  	[sflag:s11] =	ssyncset.done $0x0  }
0xbf: {  	[sflag:s11] =	ssyncadd.s32 $0xFFFF4000  }
0xc0: {  	_ =	swait.ge [sflag:s7], $0x200  }
0xc1: {  	[sflag:s7] =	ssyncset.done $0x0  }
0xc2: {  	[sflag:s7] =	ssyncadd.s32 $0xFFFFFE00  }
0xc3: {  	_ =	swait.ge [sflag:s7], $0x600  }
0xc4: {  	[sflag:s7] =	ssyncset.done $0x0  }
0xc5: {  	[sflag:s7] =	ssyncadd.s32 $0xFFFFFA00  }
0xc6: {  	[hbm4b:s3+s2] =	stream.linear.scatter [tilespmem:s5], [sflag:$0x5], $0x200, $0x38;
	[tilespmem:$0x1E800] =	vst v63  }
0xc7: {  	_ = 	snop  }
0xc8: {  	[hbm4b:s4+s2] =	stream.linear.scatter [tilespmem:s6], [sflag:$0x5], $0x600, $0x38;
	[tilespmem:$0x1E800] =	vst v63  }
0xc9: {  	_ =	swait.ge [sflag:s7], $0x200  }
0xca: {  	s1 =	rddreg [dreg:$0x1b]  }
0xcb: {  	p1 =	sne.s32 s1, $0x1  }
.Ltmp1:
0xcc: {  	_ = 	snop;
	(pc) =	sbr.rel @!p1 .LBB2_3-.Ltmp1, $4  }
0xcd: {  	[sflag:s7] =	ssyncset.done $0x0  }
0xce: {  	[sflag:s7] =	ssyncadd.s32 $0xFFFFFE00  }
0xcf: {  	p0 =	por $0x1, $0x1;
	_ =	swait.ge [sflag:s7], $0x600  }
0xd0: {  	s1 =	sadd.s32 $0xFFFFFFFF, s1;
	s0 =	rddreg [dreg:$0x7];
	[sflag:s7] =	ssyncset.done $0x0  }
.LBB2_2:
0xd1: {  	[sflag:s7] =	ssyncadd.s32 $0xFFFFFA00;
	s6 =	simm.s32 $0x1E000;
	s5 =	smov.u32 s4  }
0xd2: {  	[tilespmem:s6], [sflag:$0x5] =	stream.linear.gather [hbm4b:s0+s2], $0x200, $0x38;
	[tilespmem:$0x1E800] =	vst v63  }
0xd3: {  	s4 =	smov.u32 s3;
	s3 =	rddreg [dreg:$0x8];
	s6 =	simm.s32 $0x1E200  }
0xd4: {  	[tilespmem:s6], [sflag:$0x5] =	stream.linear.gather [hbm4b:s3+s2], $0x600, $0x38;
	[tilespmem:$0x1E800] =	vst v63  }
0xd5: {  	s0 =	rddreg [dreg:$0x9]  }
0xd6: {  	[tilespmem:s2], [sflag:$0x1] =	stream.linear.gather [hbm4b:s0+s2], $0xF000, $0x38;
	[tilespmem:$0x1E800] =	vst v63  }
0xd7: {  	s3 =	rddreg [dreg:$0xa]  }
0xd8: {  	[tilespmem:s14], [sflag:$0x2] =	stream.linear.gather [hbm4b:s3+s2], $0xF000, $0x38;
	[tilespmem:$0x1E800] =	vst v63  }
0xd9: {  	_ =	swait.ge [sflag:s18], $0xF000  }
0xda: {  	[sflag:s18] =	ssyncset.done $0x0  }
0xdb: {  	s0 =	rddreg [dreg:$0xb];
	[sflag:s18] =	ssyncadd.s32 $0xFFFF1000  }
0xdc: {  	[hbm4b:s0+s2] =	stream.linear.scatter [tilespmem:s2], [sflag:$0x3], $0xF000, $0x38;
	[tilespmem:$0x1E800] =	vst v63  }
0xdd: {  	_ =	swait.ge [sflag:s13], $0xF000  }
0xde: {  	[sflag:s13] =	ssyncset.done $0x0  }
0xdf: {  	s0 =	rddreg [dreg:$0xc];
	[sflag:s13] =	ssyncadd.s32 $0xFFFF1000  }
0xe0: {  	[tilespmem:s2], [sflag:$0x1] =	stream.linear.gather [hbm4b:s0+s2], $0xF000, $0x38;
	[tilespmem:$0x1E800] =	vst v63  }
0xe1: {  	_ =	swait.ge [sflag:s17], $0xF000  }
0xe2: {  	[sflag:s17] =	ssyncset.done $0x0  }
0xe3: {  	s0 =	rddreg [dreg:$0xd];
	[sflag:s17] =	ssyncadd.s32 $0xFFFF1000  }
0xe4: {  	[hbm4b:s0+s2] =	stream.linear.scatter [tilespmem:s14], [sflag:$0x4], $0xF000, $0x38;
	[tilespmem:$0x1E800] =	vst v63  }
0xe5: {  	_ =	swait.ge [sflag:s11], $0xF000  }
0xe6: {  	[sflag:s11] =	ssyncset.done $0x0  }
0xe7: {  	s0 =	rddreg [dreg:$0xe];
	[sflag:s11] =	ssyncadd.s32 $0xFFFF1000  }
0xe8: {  	[tilespmem:s14], [sflag:$0x2] =	stream.linear.gather [hbm4b:s0+s2], $0xF000, $0x38;
	[tilespmem:$0x1E800] =	vst v63  }
0xe9: {  	_ =	swait.ge [sflag:s18], $0xF000  }
0xea: {  	[sflag:s18] =	ssyncset.done $0x0  }
0xeb: {  	s0 =	rddreg [dreg:$0xf];
	[sflag:s18] =	ssyncadd.s32 $0xFFFF1000  }
0xec: {  	[hbm4b:s0+s2] =	stream.linear.scatter [tilespmem:s2], [sflag:$0x3], $0xF000, $0x38;
	[tilespmem:$0x1E800] =	vst v63  }
0xed: {  	_ =	swait.ge [sflag:s13], $0xF000  }
0xee: {  	[sflag:s13] =	ssyncset.done $0x0  }
0xef: {  	s0 =	rddreg [dreg:$0x10];
	[sflag:s13] =	ssyncadd.s32 $0xFFFF1000  }
0xf0: {  	[tilespmem:s2], [sflag:$0x1] =	stream.linear.gather [hbm4b:s0+s2], $0x4000, $0x38;
	[tilespmem:$0x1E800] =	vst v63  }
0xf1: {  	_ =	swait.ge [sflag:s17], $0xF000  }
0xf2: {  	[sflag:s17] =	ssyncset.done $0x0  }
0xf3: {  	s0 =	rddreg [dreg:$0x11];
	[sflag:s17] =	ssyncadd.s32 $0xFFFF1000  }
0xf4: {  	[hbm4b:s0+s2] =	stream.linear.scatter [tilespmem:s14], [sflag:$0x4], $0xF000, $0x38;
	[tilespmem:$0x1E800] =	vst v63  }
0xf5: {  	_ =	swait.ge [sflag:s11], $0xF000  }
0xf6: {  	[sflag:s11] =	ssyncset.done $0x0  }
0xf7: {  	s0 =	rddreg [dreg:$0x12];
	[sflag:s11] =	ssyncadd.s32 $0xFFFF1000  }
0xf8: {  	[tilespmem:s14], [sflag:$0x2] =	stream.linear.gather [hbm4b:s0+s2], $0xF000, $0x38;
	[tilespmem:$0x1E800] =	vst v63  }
0xf9: {  	_ =	swait.ge [sflag:s18], $0x4000  }
0xfa: {  	[sflag:s18] =	ssyncset.done $0x0  }
0xfb: {  	s0 =	rddreg [dreg:$0x13];
	[sflag:s18] =	ssyncadd.s32 $0xFFFFC000  }
0xfc: {  	[hbm4b:s0+s2] =	stream.linear.scatter [tilespmem:s2], [sflag:$0x3], $0x4000, $0x38;
	[tilespmem:$0x1E800] =	vst v63  }
0xfd: {  	_ =	swait.ge [sflag:s13], $0x4000  }
0xfe: {  	[sflag:s13] =	ssyncset.done $0x0  }
0xff: {  	s0 =	rddreg [dreg:$0x14];
	[sflag:s13] =	ssyncadd.s32 $0xFFFFC000  }
0x100: {  	[tilespmem:s2], [sflag:$0x1] =	stream.linear.gather [hbm4b:s0+s2], $0xF000, $0x38;
	[tilespmem:$0x1E800] =	vst v63  }
0x101: {  	_ =	swait.ge [sflag:s17], $0xF000  }
0x102: {  	[sflag:s17] =	ssyncset.done $0x0  }
0x103: {  	s0 =	rddreg [dreg:$0x15];
	[sflag:s17] =	ssyncadd.s32 $0xFFFF1000  }
0x104: {  	[hbm4b:s0+s2] =	stream.linear.scatter [tilespmem:s14], [sflag:$0x4], $0xF000, $0x38;
	[tilespmem:$0x1E800] =	vst v63  }
0x105: {  	_ =	swait.ge [sflag:s11], $0xF000  }
0x106: {  	[sflag:s11] =	ssyncset.done $0x0  }
0x107: {  	s0 =	rddreg [dreg:$0x16];
	[sflag:s11] =	ssyncadd.s32 $0xFFFF1000  }
0x108: {  	[tilespmem:s14], [sflag:$0x2] =	stream.linear.gather [hbm4b:s0+s2], $0xF000, $0x38;
	[tilespmem:$0x1E800] =	vst v63  }
0x109: {  	_ =	swait.ge [sflag:s18], $0xF000  }
0x10a: {  	[sflag:s18] =	ssyncset.done $0x0  }
0x10b: {  	s0 =	rddreg [dreg:$0x17];
	[sflag:s18] =	ssyncadd.s32 $0xFFFF1000  }
0x10c: {  	[hbm4b:s0+s2] =	stream.linear.scatter [tilespmem:s2], [sflag:$0x3], $0xF000, $0x38;
	[tilespmem:$0x1E800] =	vst v63  }
0x10d: {  	_ =	swait.ge [sflag:s13], $0xF000  }
0x10e: {  	[sflag:s13] =	ssyncset.done $0x0  }
0x10f: {  	s0 =	rddreg [dreg:$0x18];
	[sflag:s13] =	ssyncadd.s32 $0xFFFF1000  }
0x110: {  	[tilespmem:s2], [sflag:$0x1] =	stream.linear.gather [hbm4b:s0+s2], $0xF000, $0x38;
	[tilespmem:$0x1E800] =	vst v63  }
0x111: {  	_ =	swait.ge [sflag:s17], $0xF000  }
0x112: {  	[sflag:s17] =	ssyncset.done $0x0  }
0x113: {  	s0 =	rddreg [dreg:$0x19];
	[sflag:s17] =	ssyncadd.s32 $0xFFFF1000  }
0x114: {  	[hbm4b:s0+s2] =	stream.linear.scatter [tilespmem:s14], [sflag:$0x4], $0xF000, $0x38;
	[tilespmem:$0x1E800] =	vst v63  }
0x115: {  	_ =	swait.ge [sflag:s11], $0xF000  }
0x116: {  	[sflag:s11] =	ssyncset.done $0x0  }
0x117: {  	s0 =	rddreg [dreg:$0x1a];
	[sflag:s11] =	ssyncadd.s32 $0xFFFF1000  }
0x118: {  	[tilespmem:s14], [sflag:$0x2] =	stream.linear.gather [hbm4b:s0+s2], $0xF000, $0x38;
	[tilespmem:$0x1E800] =	vst v63  }
0x119: {  	_ =	swait.ge [sflag:s18], $0xF000  }
0x11a: {  	[sflag:s18] =	ssyncset.done $0x0  }
0x11b: {  	[sflag:s18] =	ssyncadd.s32 $0xFFFF1000  }
0x11c: {  	[hbm4b:s31+s2] =	stream.linear.scatter [tilespmem:s2], [sflag:$0x3], $0xF000, $0x38;
	[tilespmem:$0x1E800] =	vst v63  }
0x11d: {  	_ =	swait.ge [sflag:s13], $0xF000  }
0x11e: {  	[sflag:s13] =	ssyncset.done $0x0  }
0x11f: {  	[sflag:s13] =	ssyncadd.s32 $0xFFFF1000  }
0x120: {  	[tilespmem:s2], [sflag:$0x1] =	stream.linear.gather [hbm4b:s30+s2], $0xF000, $0x38;
	[tilespmem:$0x1E800] =	vst v63  }
0x121: {  	_ =	swait.ge [sflag:s17], $0xF000  }
0x122: {  	[sflag:s17] =	ssyncset.done $0x0  }
0x123: {  	[sflag:s17] =	ssyncadd.s32 $0xFFFF1000  }
0x124: {  	[hbm4b:s29+s2] =	stream.linear.scatter [tilespmem:s14], [sflag:$0x4], $0xF000, $0x38;
	[tilespmem:$0x1E800] =	vst v63  }
0x125: {  	_ =	swait.ge [sflag:s11], $0xF000  }
0x126: {  	[sflag:s11] =	ssyncset.done $0x0  }
0x127: {  	[sflag:s11] =	ssyncadd.s32 $0xFFFF1000  }
0x128: {  	[tilespmem:s14], [sflag:$0x2] =	stream.linear.gather [hbm4b:s28+s2], $0xF000, $0x38;
	[tilespmem:$0x1E800] =	vst v63  }
0x129: {  	_ =	swait.ge [sflag:s18], $0xF000  }
0x12a: {  	[sflag:s18] =	ssyncset.done $0x0  }
0x12b: {  	[sflag:s18] =	ssyncadd.s32 $0xFFFF1000  }
0x12c: {  	[hbm4b:s26+s2] =	stream.linear.scatter [tilespmem:s2], [sflag:$0x3], $0xF000, $0x38;
	[tilespmem:$0x1E800] =	vst v63  }
0x12d: {  	_ =	swait.ge [sflag:s13], $0xF000  }
0x12e: {  	[sflag:s13] =	ssyncset.done $0x0  }
0x12f: {  	[sflag:s13] =	ssyncadd.s32 $0xFFFF1000  }
0x130: {  	[tilespmem:s2], [sflag:$0x1] =	stream.linear.gather [hbm4b:s25+s2], $0xF000, $0x38;
	[tilespmem:$0x1E800] =	vst v63  }
0x131: {  	_ =	swait.ge [sflag:s17], $0xF000  }
0x132: {  	[sflag:s17] =	ssyncset.done $0x0  }
0x133: {  	[sflag:s17] =	ssyncadd.s32 $0xFFFF1000  }
0x134: {  	[hbm4b:s24+s2] =	stream.linear.scatter [tilespmem:s14], [sflag:$0x4], $0xF000, $0x38;
	[tilespmem:$0x1E800] =	vst v63  }
0x135: {  	_ =	swait.ge [sflag:s11], $0xF000  }
0x136: {  	[sflag:s11] =	ssyncset.done $0x0  }
0x137: {  	[sflag:s11] =	ssyncadd.s32 $0xFFFF1000  }
0x138: {  	[tilespmem:s14], [sflag:$0x2] =	stream.linear.gather [hbm4b:s23+s2], $0xF000, $0x38;
	[tilespmem:$0x1E800] =	vst v63  }
0x139: {  	_ =	swait.ge [sflag:s18], $0xF000  }
0x13a: {  	[sflag:s18] =	ssyncset.done $0x0  }
0x13b: {  	[sflag:s18] =	ssyncadd.s32 $0xFFFF1000  }
0x13c: {  	[hbm4b:s22+s2] =	stream.linear.scatter [tilespmem:s2], [sflag:$0x3], $0xF000, $0x38;
	[tilespmem:$0x1E800] =	vst v63  }
0x13d: {  	_ =	swait.ge [sflag:s13], $0xF000  }
0x13e: {  	[sflag:s13] =	ssyncset.done $0x0  }
0x13f: {  	[sflag:s13] =	ssyncadd.s32 $0xFFFF1000  }
0x140: {  	[tilespmem:s2], [sflag:$0x1] =	stream.linear.gather [hbm4b:s21+s2], $0xF000, $0x38;
	[tilespmem:$0x1E800] =	vst v63  }
0x141: {  	_ =	swait.ge [sflag:s17], $0xF000  }
0x142: {  	[sflag:s17] =	ssyncset.done $0x0  }
0x143: {  	[sflag:s17] =	ssyncadd.s32 $0xFFFF1000  }
0x144: {  	[hbm4b:s20+s2] =	stream.linear.scatter [tilespmem:s14], [sflag:$0x4], $0xF000, $0x38;
	[tilespmem:$0x1E800] =	vst v63  }
0x145: {  	_ =	swait.ge [sflag:s11], $0xF000  }
0x146: {  	[sflag:s11] =	ssyncset.done $0x0  }
0x147: {  	[sflag:s11] =	ssyncadd.s32 $0xFFFF1000  }
0x148: {  	[tilespmem:s14], [sflag:$0x2] =	stream.linear.gather [hbm4b:s19+s2], $0xF000, $0x38;
	[tilespmem:$0x1E800] =	vst v63  }
0x149: {  	_ =	swait.ge [sflag:s18], $0xF000  }
0x14a: {  	[sflag:s18] =	ssyncset.done $0x0  }
0x14b: {  	[sflag:s18] =	ssyncadd.s32 $0xFFFF1000  }
0x14c: {  	[hbm4b:s16+s2] =	stream.linear.scatter [tilespmem:s2], [sflag:$0x3], $0xF000, $0x38;
	[tilespmem:$0x1E800] =	vst v63  }
0x14d: {  	_ =	swait.ge [sflag:s13], $0xF000  }
0x14e: {  	[sflag:s13] =	ssyncset.done $0x0  }
0x14f: {  	[sflag:s13] =	ssyncadd.s32 $0xFFFF1000  }
0x150: {  	[tilespmem:s2], [sflag:$0x1] =	stream.linear.gather [hbm4b:s15+s2], $0xF000, $0x38;
	[tilespmem:$0x1E800] =	vst v63  }
0x151: {  	_ =	swait.ge [sflag:s17], $0xF000  }
0x152: {  	[sflag:s17] =	ssyncset.done $0x0  }
0x153: {  	[sflag:s17] =	ssyncadd.s32 $0xFFFF1000  }
0x154: {  	[hbm4b:s12+s2] =	stream.linear.scatter [tilespmem:s14], [sflag:$0x4], $0xF000, $0x38;
	[tilespmem:$0x1E800] =	vst v63  }
0x155: {  	_ =	swait.ge [sflag:s11], $0xF000  }
0x156: {  	[sflag:s11] =	ssyncset.done $0x0  }
0x157: {  	[sflag:s11] =	ssyncadd.s32 $0xFFFF1000  }
0x158: {  	[tilespmem:s14], [sflag:$0x2] =	stream.linear.gather [hbm4b:s10+s2], $0xC000, $0x38;
	[tilespmem:$0x1E800] =	vst v63  }
0x159: {  	_ =	swait.ge [sflag:s18], $0xF000  }
0x15a: {  	[sflag:s18] =	ssyncset.done $0x0  }
0x15b: {  	[sflag:s18] =	ssyncadd.s32 $0xFFFF1000  }
0x15c: {  	[hbm4b:s9+s2] =	stream.linear.scatter [tilespmem:s2], [sflag:$0x3], $0xF000, $0x38;
	[tilespmem:$0x1E800] =	vst v63  }
0x15d: {  	_ =	swait.ge [sflag:s17], $0xC000  }
0x15e: {  	[sflag:s17] =	ssyncset.done $0x0  }
0x15f: {  	[sflag:s17] =	ssyncadd.s32 $0xFFFF4000  }
0x160: {  	[hbm4b:s8+s2] =	stream.linear.scatter [tilespmem:s14], [sflag:$0x4], $0xC000, $0x38;
	[tilespmem:$0x1E800] =	vst v63  }
0x161: {  	_ =	swait.ge [sflag:s13], $0xF000  }
0x162: {  	[sflag:s13] =	ssyncset.done $0x0  }
0x163: {  	[sflag:s13] =	ssyncadd.s32 $0xFFFF1000  }
0x164: {  	_ =	swait.ge [sflag:s11], $0xC000  }
0x165: {  	[sflag:s11] =	ssyncset.done $0x0  }
0x166: {  	[sflag:s11] =	ssyncadd.s32 $0xFFFF4000  }
0x167: {  	_ =	swait.ge [sflag:s7], $0x200  }
0x168: {  	[sflag:s7] =	ssyncset.done $0x0  }
0x169: {  	[sflag:s7] =	ssyncadd.s32 $0xFFFFFE00  }
0x16a: {  	_ =	swait.ge [sflag:s7], $0x600  }
0x16b: {  	s3 =	smov.u32 s4;
	[sflag:s7] =	ssyncset.done $0x0  }
0x16c: {  	s4 =	smov.u32 s5;
	s5 =	simm.s32 $0x1E000;
	[sflag:s7] =	ssyncadd.s32 $0xFFFFFA00  }
0x16d: {  	[hbm4b:s3+s2] =	stream.linear.scatter [tilespmem:s5], [sflag:$0x5], $0x200, $0x38;
	[tilespmem:$0x1E800] =	vst v63  }
0x16e: {  	p1 =	sne.s32 s1, $0x1  }
0x16f: {  	[hbm4b:s4+s2] =	stream.linear.scatter [tilespmem:s6], [sflag:$0x5], $0x600, $0x38;
	[tilespmem:$0x1E800] =	vst v63  }
.Ltmp2:
0x170: {  	_ =	swait.ge [sflag:s7], $0x200;
	(pc) =	sbr.rel @p1 .LBB2_2-.Ltmp2, $4  }
0x171: {  	[sflag:s7] =	ssyncset.done $0x0  }
0x172: {  	[sflag:s7] =	ssyncadd.s32 $0xFFFFFE00  }
0x173: {  	_ =	swait.ge [sflag:s7], $0x600  }
0x174: {  	s1 =	sadd.s32 $0xFFFFFFFF, s1;
	s0 =	rddreg [dreg:$0x7];
	[sflag:s7] =	ssyncset.done $0x0  }
.LBB2_3:
0x175: {  	[sflag:s7] =	ssyncadd.s32 @p0 $0xFFFFFA00  }
0x176: {  	[tilespmem:s5], [sflag:$0x5] =	stream.linear.gather [hbm4b:s0+s2], $0x200, $0x38;
	[tilespmem:$0x1E800] =	vst v63  }
0x177: {  	s1 =	rddreg [dreg:$0x8]  }
0x178: {  	[tilespmem:s6], [sflag:$0x5] =	stream.linear.gather [hbm4b:s1+s2], $0x600, $0x38;
	[tilespmem:$0x1E800] =	vst v63  }
0x179: {  	s0 =	rddreg [dreg:$0x9]  }
0x17a: {  	[tilespmem:s2], [sflag:$0x1] =	stream.linear.gather [hbm4b:s0+s2], $0xF000, $0x38;
	[tilespmem:$0x1E800] =	vst v63  }
0x17b: {  	s1 =	rddreg [dreg:$0xa]  }
0x17c: {  	[tilespmem:s14], [sflag:$0x2] =	stream.linear.gather [hbm4b:s1+s2], $0xF000, $0x38;
	[tilespmem:$0x1E800] =	vst v63  }
0x17d: {  	_ =	swait.ge [sflag:s18], $0xF000  }
0x17e: {  	[sflag:s18] =	ssyncset.done $0x0  }
0x17f: {  	s1 =	rddreg [dreg:$0xb];
	[sflag:s18] =	ssyncadd.s32 $0xFFFF1000  }
0x180: {  	[hbm4b:s1+s2] =	stream.linear.scatter [tilespmem:s2], [sflag:$0x3], $0xF000, $0x38;
	[tilespmem:$0x1E800] =	vst v63  }
0x181: {  	_ =	swait.ge [sflag:s13], $0xF000  }
0x182: {  	[sflag:s13] =	ssyncset.done $0x0  }
0x183: {  	s1 =	rddreg [dreg:$0xc];
	[sflag:s13] =	ssyncadd.s32 $0xFFFF1000  }
0x184: {  	[tilespmem:s2], [sflag:$0x1] =	stream.linear.gather [hbm4b:s1+s2], $0xF000, $0x38;
	[tilespmem:$0x1E800] =	vst v63  }
0x185: {  	_ =	swait.ge [sflag:s17], $0xF000  }
0x186: {  	[sflag:s17] =	ssyncset.done $0x0  }
0x187: {  	s1 =	rddreg [dreg:$0xd];
	[sflag:s17] =	ssyncadd.s32 $0xFFFF1000  }
0x188: {  	[hbm4b:s1+s2] =	stream.linear.scatter [tilespmem:s14], [sflag:$0x4], $0xF000, $0x38;
	[tilespmem:$0x1E800] =	vst v63  }
0x189: {  	_ =	swait.ge [sflag:s11], $0xF000  }
0x18a: {  	[sflag:s11] =	ssyncset.done $0x0  }
0x18b: {  	s1 =	rddreg [dreg:$0xe];
	[sflag:s11] =	ssyncadd.s32 $0xFFFF1000  }
0x18c: {  	[tilespmem:s14], [sflag:$0x2] =	stream.linear.gather [hbm4b:s1+s2], $0xF000, $0x38;
	[tilespmem:$0x1E800] =	vst v63  }
0x18d: {  	_ =	swait.ge [sflag:s18], $0xF000  }
0x18e: {  	[sflag:s18] =	ssyncset.done $0x0  }
0x18f: {  	s1 =	rddreg [dreg:$0xf];
	[sflag:s18] =	ssyncadd.s32 $0xFFFF1000  }
0x190: {  	[hbm4b:s1+s2] =	stream.linear.scatter [tilespmem:s2], [sflag:$0x3], $0xF000, $0x38;
	[tilespmem:$0x1E800] =	vst v63  }
0x191: {  	_ =	swait.ge [sflag:s13], $0xF000  }
0x192: {  	[sflag:s13] =	ssyncset.done $0x0  }
0x193: {  	s1 =	rddreg [dreg:$0x10];
	[sflag:s13] =	ssyncadd.s32 $0xFFFF1000  }
0x194: {  	[tilespmem:s2], [sflag:$0x1] =	stream.linear.gather [hbm4b:s1+s2], $0x4000, $0x38;
	[tilespmem:$0x1E800] =	vst v63  }
0x195: {  	_ =	swait.ge [sflag:s17], $0xF000  }
0x196: {  	[sflag:s17] =	ssyncset.done $0x0  }
0x197: {  	s1 =	rddreg [dreg:$0x11];
	[sflag:s17] =	ssyncadd.s32 $0xFFFF1000  }
0x198: {  	[hbm4b:s1+s2] =	stream.linear.scatter [tilespmem:s14], [sflag:$0x4], $0xF000, $0x38;
	[tilespmem:$0x1E800] =	vst v63  }
0x199: {  	_ =	swait.ge [sflag:s11], $0xF000  }
0x19a: {  	[sflag:s11] =	ssyncset.done $0x0  }
0x19b: {  	s1 =	rddreg [dreg:$0x12];
	[sflag:s11] =	ssyncadd.s32 $0xFFFF1000  }
0x19c: {  	[tilespmem:s14], [sflag:$0x2] =	stream.linear.gather [hbm4b:s1+s2], $0xF000, $0x38;
	[tilespmem:$0x1E800] =	vst v63  }
0x19d: {  	_ =	swait.ge [sflag:s18], $0x4000  }
0x19e: {  	[sflag:s18] =	ssyncset.done $0x0  }
0x19f: {  	s1 =	rddreg [dreg:$0x13];
	[sflag:s18] =	ssyncadd.s32 $0xFFFFC000  }
0x1a0: {  	[hbm4b:s1+s2] =	stream.linear.scatter [tilespmem:s2], [sflag:$0x3], $0x4000, $0x38;
	[tilespmem:$0x1E800] =	vst v63  }
0x1a1: {  	_ =	swait.ge [sflag:s13], $0x4000  }
0x1a2: {  	[sflag:s13] =	ssyncset.done $0x0  }
0x1a3: {  	s1 =	rddreg [dreg:$0x14];
	[sflag:s13] =	ssyncadd.s32 $0xFFFFC000  }
0x1a4: {  	[tilespmem:s2], [sflag:$0x1] =	stream.linear.gather [hbm4b:s1+s2], $0xF000, $0x38;
	[tilespmem:$0x1E800] =	vst v63  }
0x1a5: {  	_ =	swait.ge [sflag:s17], $0xF000  }
0x1a6: {  	[sflag:s17] =	ssyncset.done $0x0  }
0x1a7: {  	s1 =	rddreg [dreg:$0x15];
	[sflag:s17] =	ssyncadd.s32 $0xFFFF1000  }
0x1a8: {  	[hbm4b:s1+s2] =	stream.linear.scatter [tilespmem:s14], [sflag:$0x4], $0xF000, $0x38;
	[tilespmem:$0x1E800] =	vst v63  }
0x1a9: {  	_ =	swait.ge [sflag:s11], $0xF000  }
0x1aa: {  	[sflag:s11] =	ssyncset.done $0x0  }
0x1ab: {  	s1 =	rddreg [dreg:$0x16];
	[sflag:s11] =	ssyncadd.s32 $0xFFFF1000  }
0x1ac: {  	[tilespmem:s14], [sflag:$0x2] =	stream.linear.gather [hbm4b:s1+s2], $0xF000, $0x38;
	[tilespmem:$0x1E800] =	vst v63  }
0x1ad: {  	_ =	swait.ge [sflag:s18], $0xF000  }
0x1ae: {  	[sflag:s18] =	ssyncset.done $0x0  }
0x1af: {  	s1 =	rddreg [dreg:$0x17];
	[sflag:s18] =	ssyncadd.s32 $0xFFFF1000  }
0x1b0: {  	[hbm4b:s1+s2] =	stream.linear.scatter [tilespmem:s2], [sflag:$0x3], $0xF000, $0x38;
	[tilespmem:$0x1E800] =	vst v63  }
0x1b1: {  	_ =	swait.ge [sflag:s13], $0xF000  }
0x1b2: {  	[sflag:s13] =	ssyncset.done $0x0  }
0x1b3: {  	s1 =	rddreg [dreg:$0x18];
	[sflag:s13] =	ssyncadd.s32 $0xFFFF1000  }
0x1b4: {  	[tilespmem:s2], [sflag:$0x1] =	stream.linear.gather [hbm4b:s1+s2], $0xF000, $0x38;
	[tilespmem:$0x1E800] =	vst v63  }
0x1b5: {  	_ =	swait.ge [sflag:s17], $0xF000  }
0x1b6: {  	[sflag:s17] =	ssyncset.done $0x0  }
0x1b7: {  	s1 =	rddreg [dreg:$0x19];
	[sflag:s17] =	ssyncadd.s32 $0xFFFF1000  }
0x1b8: {  	[hbm4b:s1+s2] =	stream.linear.scatter [tilespmem:s14], [sflag:$0x4], $0xF000, $0x38;
	[tilespmem:$0x1E800] =	vst v63  }
0x1b9: {  	_ =	swait.ge [sflag:s11], $0xF000  }
0x1ba: {  	[sflag:s11] =	ssyncset.done $0x0  }
0x1bb: {  	s1 =	rddreg [dreg:$0x1a];
	[sflag:s11] =	ssyncadd.s32 $0xFFFF1000  }
0x1bc: {  	[tilespmem:s14], [sflag:$0x2] =	stream.linear.gather [hbm4b:s1+s2], $0xF000, $0x38;
	[tilespmem:$0x1E800] =	vst v63  }
0x1bd: {  	_ =	swait.ge [sflag:s18], $0xF000  }
0x1be: {  	[sflag:s18] =	ssyncset.done $0x0  }
0x1bf: {  	[sflag:s18] =	ssyncadd.s32 $0xFFFF1000  }
0x1c0: {  	[hbm4b:s31+s2] =	stream.linear.scatter [tilespmem:s2], [sflag:$0x3], $0xF000, $0x38;
	[tilespmem:$0x1E800] =	vst v63  }
0x1c1: {  	_ =	swait.ge [sflag:s13], $0xF000  }
0x1c2: {  	[sflag:s13] =	ssyncset.done $0x0  }
0x1c3: {  	[sflag:s13] =	ssyncadd.s32 $0xFFFF1000  }
0x1c4: {  	[tilespmem:s2], [sflag:$0x1] =	stream.linear.gather [hbm4b:s30+s2], $0xF000, $0x38;
	[tilespmem:$0x1E800] =	vst v63  }
0x1c5: {  	_ =	swait.ge [sflag:s17], $0xF000  }
0x1c6: {  	[sflag:s17] =	ssyncset.done $0x0  }
0x1c7: {  	[sflag:s17] =	ssyncadd.s32 $0xFFFF1000  }
0x1c8: {  	[hbm4b:s29+s2] =	stream.linear.scatter [tilespmem:s14], [sflag:$0x4], $0xF000, $0x38;
	[tilespmem:$0x1E800] =	vst v63  }
0x1c9: {  	_ =	swait.ge [sflag:s11], $0xF000  }
0x1ca: {  	[sflag:s11] =	ssyncset.done $0x0  }
0x1cb: {  	[sflag:s11] =	ssyncadd.s32 $0xFFFF1000  }
0x1cc: {  	[tilespmem:s14], [sflag:$0x2] =	stream.linear.gather [hbm4b:s28+s2], $0xF000, $0x38;
	[tilespmem:$0x1E800] =	vst v63  }
0x1cd: {  	_ =	swait.ge [sflag:s18], $0xF000  }
0x1ce: {  	[sflag:s18] =	ssyncset.done $0x0  }
0x1cf: {  	[sflag:s18] =	ssyncadd.s32 $0xFFFF1000  }
0x1d0: {  	[hbm4b:s26+s2] =	stream.linear.scatter [tilespmem:s2], [sflag:$0x3], $0xF000, $0x38;
	[tilespmem:$0x1E800] =	vst v63  }
0x1d1: {  	_ =	swait.ge [sflag:s13], $0xF000  }
0x1d2: {  	[sflag:s13] =	ssyncset.done $0x0  }
0x1d3: {  	[sflag:s13] =	ssyncadd.s32 $0xFFFF1000  }
0x1d4: {  	[tilespmem:s2], [sflag:$0x1] =	stream.linear.gather [hbm4b:s25+s2], $0xF000, $0x38;
	[tilespmem:$0x1E800] =	vst v63  }
0x1d5: {  	_ =	swait.ge [sflag:s17], $0xF000  }
0x1d6: {  	[sflag:s17] =	ssyncset.done $0x0  }
0x1d7: {  	[sflag:s17] =	ssyncadd.s32 $0xFFFF1000  }
0x1d8: {  	[hbm4b:s24+s2] =	stream.linear.scatter [tilespmem:s14], [sflag:$0x4], $0xF000, $0x38;
	[tilespmem:$0x1E800] =	vst v63  }
0x1d9: {  	_ =	swait.ge [sflag:s11], $0xF000  }
0x1da: {  	[sflag:s11] =	ssyncset.done $0x0  }
0x1db: {  	[sflag:s11] =	ssyncadd.s32 $0xFFFF1000  }
0x1dc: {  	[tilespmem:s14], [sflag:$0x2] =	stream.linear.gather [hbm4b:s23+s2], $0xF000, $0x38;
	[tilespmem:$0x1E800] =	vst v63  }
0x1dd: {  	_ =	swait.ge [sflag:s18], $0xF000  }
0x1de: {  	[sflag:s18] =	ssyncset.done $0x0  }
0x1df: {  	[sflag:s18] =	ssyncadd.s32 $0xFFFF1000  }
0x1e0: {  	[hbm4b:s22+s2] =	stream.linear.scatter [tilespmem:s2], [sflag:$0x3], $0xF000, $0x38;
	[tilespmem:$0x1E800] =	vst v63  }
0x1e1: {  	_ =	swait.ge [sflag:s13], $0xF000  }
0x1e2: {  	[sflag:s13] =	ssyncset.done $0x0  }
0x1e3: {  	[sflag:s13] =	ssyncadd.s32 $0xFFFF1000  }
0x1e4: {  	[tilespmem:s2], [sflag:$0x1] =	stream.linear.gather [hbm4b:s21+s2], $0xF000, $0x38;
	[tilespmem:$0x1E800] =	vst v63  }
0x1e5: {  	_ =	swait.ge [sflag:s17], $0xF000  }
0x1e6: {  	[sflag:s17] =	ssyncset.done $0x0  }
0x1e7: {  	[sflag:s17] =	ssyncadd.s32 $0xFFFF1000  }
0x1e8: {  	[hbm4b:s20+s2] =	stream.linear.scatter [tilespmem:s14], [sflag:$0x4], $0xF000, $0x38;
	[tilespmem:$0x1E800] =	vst v63  }
0x1e9: {  	_ =	swait.ge [sflag:s11], $0xF000  }
0x1ea: {  	[sflag:s11] =	ssyncset.done $0x0  }
0x1eb: {  	[sflag:s11] =	ssyncadd.s32 $0xFFFF1000  }
0x1ec: {  	[tilespmem:s14], [sflag:$0x2] =	stream.linear.gather [hbm4b:s19+s2], $0xF000, $0x38;
	[tilespmem:$0x1E800] =	vst v63  }
0x1ed: {  	_ =	swait.ge [sflag:s18], $0xF000  }
0x1ee: {  	[sflag:s18] =	ssyncset.done $0x0  }
0x1ef: {  	[sflag:s18] =	ssyncadd.s32 $0xFFFF1000  }
0x1f0: {  	[hbm4b:s16+s2] =	stream.linear.scatter [tilespmem:s2], [sflag:$0x3], $0xF000, $0x38;
	[tilespmem:$0x1E800] =	vst v63  }
0x1f1: {  	_ =	swait.ge [sflag:s13], $0xF000  }
0x1f2: {  	[sflag:s13] =	ssyncset.done $0x0  }
0x1f3: {  	[sflag:s13] =	ssyncadd.s32 $0xFFFF1000  }
0x1f4: {  	[tilespmem:s2], [sflag:$0x1] =	stream.linear.gather [hbm4b:s15+s2], $0xF000, $0x38;
	[tilespmem:$0x1E800] =	vst v63  }
0x1f5: {  	_ =	swait.ge [sflag:s17], $0xF000  }
0x1f6: {  	[sflag:s17] =	ssyncset.done $0x0  }
0x1f7: {  	[sflag:s17] =	ssyncadd.s32 $0xFFFF1000  }
0x1f8: {  	[hbm4b:s12+s2] =	stream.linear.scatter [tilespmem:s14], [sflag:$0x4], $0xF000, $0x38;
	[tilespmem:$0x1E800] =	vst v63  }
0x1f9: {  	_ =	swait.ge [sflag:s11], $0xF000  }
0x1fa: {  	[sflag:s11] =	ssyncset.done $0x0  }
0x1fb: {  	[sflag:s11] =	ssyncadd.s32 $0xFFFF1000  }
0x1fc: {  	[tilespmem:s14], [sflag:$0x2] =	stream.linear.gather [hbm4b:s10+s2], $0xC000, $0x38;
	[tilespmem:$0x1E800] =	vst v63  }
0x1fd: {  	_ =	swait.ge [sflag:s18], $0xF000  }
0x1fe: {  	[sflag:s18] =	ssyncset.done $0x0  }
0x1ff: {  	[sflag:s18] =	ssyncadd.s32 $0xFFFF1000  }
0x200: {  	[hbm4b:s9+s2] =	stream.linear.scatter [tilespmem:s2], [sflag:$0x3], $0xF000, $0x38;
	[tilespmem:$0x1E800] =	vst v63  }
0x201: {  	_ =	swait.ge [sflag:s17], $0xC000  }
0x202: {  	[sflag:s17] =	ssyncset.done $0x0  }
0x203: {  	[sflag:s17] =	ssyncadd.s32 $0xFFFF4000  }
0x204: {  	[hbm4b:s8+s2] =	stream.linear.scatter [tilespmem:s14], [sflag:$0x4], $0xC000, $0x38;
	[tilespmem:$0x1E800] =	vst v63  }
0x205: {  	_ =	swait.ge [sflag:s13], $0xF000  }
0x206: {  	[sflag:s13] =	ssyncset.done $0x0  }
0x207: {  	[sflag:s13] =	ssyncadd.s32 $0xFFFF1000  }
0x208: {  	_ =	swait.ge [sflag:s11], $0xC000  }
0x209: {  	[sflag:s11] =	ssyncset.done $0x0  }
0x20a: {  	[sflag:s11] =	ssyncadd.s32 $0xFFFF4000  }
0x20b: {  	_ =	swait.ge [sflag:s7], $0x200  }
0x20c: {  	[sflag:s7] =	ssyncset.done $0x0  }
0x20d: {  	[sflag:s7] =	ssyncadd.s32 $0xFFFFFE00  }
0x20e: {  	_ =	swait.ge [sflag:s7], $0x600  }
0x20f: {  	[sflag:s7] =	ssyncset.done $0x0  }
0x210: {  	[sflag:s7] =	ssyncadd.s32 $0xFFFFFA00  }
0x211: {  	[hbm4b:s3+s2] =	stream.linear.scatter [tilespmem:s5], [sflag:$0x5], $0x200, $0x38;
	[tilespmem:$0x1E800] =	vst v63  }
0x212: {  	_ = 	snop  }
0x213: {  	[hbm4b:s4+s2] =	stream.linear.scatter [tilespmem:s6], [sflag:$0x5], $0x600, $0x38;
	[tilespmem:$0x1E800] =	vst v63  }
0x214: {  	_ =	swait.ge [sflag:s7], $0x200  }
0x215: {  	[sflag:s7] =	ssyncset.done $0x0  }
0x216: {  	[sflag:s7] =	ssyncadd.s32 $0xFFFFFE00  }
0x217: {  	_ =	swait.ge [sflag:s7], $0x600  }
0x218: {  	[sflag:s7] =	ssyncset.done $0x0  }
0x219: {  	[sflag:s7] =	ssyncadd.s32 $0xFFFFFA00  }
0x21a: {  	_ =	sfence.sel $0x180000  }
0x21b: {  	[bflag:$0x0] =	sbarrier.arrive $0xFFFF  }
0x21c: {  	_ =	strace $0x90000047  }
0x21d: {  	s31 =	stileid.u32;
	[bflag:$0x2] =	sbarrier.arrive $0xFFFF  }
0x21e: {  	p0 =	sne.s32 s31, $0x0;
	s0 =	rddreg [dreg:$0x6]  }
0x21f: {  	s0 =	sadd.s32 @!p0 $0x100000, s0  }
0x220: {  	[sflag:s0] =	ssyncadd.tile.s32 @!p0 $0x1;
	_ =	shalt  }
.Lfunc_end2:
_tile_overlayer_lowered:
.L_overlay_start_2:
0x221: {  	(tag) =	ssettag $0x2  }
0x222: {  	s0 =	rddreg [dreg:$0x0];
	s2 =	stileid.u32  }
0x223: {  	s1 =	rddreg [dreg:$0x1];
	p0 =	sne.s32 s2, $0x0  }
0x224: {  	s3 =	rddreg [dreg:$0x2];
	[bflag:$0x3] =	sbarrier.arrive $0xFFFF;
	s2 =	simm.s32 @!p0 $0x1C06  }
0x225: {  	[timem:s3], [sflag:s2] =	dma.local @!p0 [hbm:s0], s1  }
0x226: {  	s0 =	simm.s32 @!p0 $0x6  }
0x227: {  	_ =	swait.ge @!p0 [sflag:s0], s1  }
0x228: {  	s1 =	ssub.s32 @!p0 $0x0, s1;
	[sflag:s0] =	ssyncset.done @!p0 $0x0  }
0x229: {  	[sflag:s0] =	ssyncadd.s32 @!p0 s1  }
0x22a: {  	[bflag:$0x3] =	sbarrier.arrive $0xFFFF  }
0x22b: {  	_ =	shalt  }

</sc_bundles>
